<compile_context>
chip_gen: v7x
topology: tpu7x:2x2x1
jax: 0.10.2.dev20260603
libtpu: 0.0.44.dev20260713+nightly
codegen_flags: <defaults>
</compile_context>

<pallas_src>
import functools
import math

import jax
import jax.numpy as jnp
from jax import lax
from jax.experimental import pallas as pl
from jax.experimental.pallas import tpu as pltpu
from jax.experimental.pallas import tpu_sc as plsc

N = 10000
D = 128
ALPHA = 0.1
LAMBDA = 1.0
LAYER = 4
BETA = math.log(LAMBDA / LAYER + 1.0)

NC = 2
NS = 16
NW = NC * NS
CHUNK = 64
NBUF = 4
DCHUNK = 128
SB = 32
N_PAD = 10240
RPT = N_PAD // NS

_mesh = plsc.VectorSubcoreMesh(core_axis_name="c", subcore_axis_name="s")


def _split(num_edges):
    assert num_edges % CHUNK == 0
    groups = -(-num_edges // (NW * CHUNK))
    groups += (-groups) % SB
    edges_per_worker = groups * CHUNK
    last_real = num_edges - (NW - 1) * edges_per_worker
    assert 0 < last_real <= edges_per_worker and last_real % CHUNK == 0
    assert last_real % NBUF == 0
    last_groups = last_real // CHUNK
    return groups, last_groups


def _make_deg_kernel(groups, last_groups):
    @functools.partial(
        pl.kernel,
        out_type=jax.ShapeDtypeStruct((NC, 2, N_PAD), jnp.float32),
        mesh=_mesh,
        scratch_types=[
            pltpu.VMEM((groups, DCHUNK), jnp.int32),
            pltpu.VMEM((groups, DCHUNK), jnp.int32),
            pltpu.VMEM((DCHUNK,), jnp.float32),
            pltpu.VMEM_SHARED((N_PAD,), jnp.float32),
            pltpu.VMEM_SHARED((N_PAD,), jnp.float32),
            pltpu.SemaphoreType.DMA,
        ],
    )
    def deg_kernel(edges_hbm, ones_hbm, zeros_hbm, out_hbm,
                   src_v, dst_v, ones_v, hsrc_sh, hdst_sh, sem):
        cid = lax.axis_index("c")
        sid = lax.axis_index("s")
        wid = sid * NC + cid
        n_me = jnp.where(wid == NW - 1, last_groups, groups)
        pltpu.sync_copy(edges_hbm.at[0, wid], src_v)
        pltpu.sync_copy(edges_hbm.at[1, wid], dst_v)
        pltpu.sync_copy(ones_hbm, ones_v)
        pltpu.sync_copy(zeros_hbm, hsrc_sh.at[pl.ds(sid * RPT, RPT)])
        pltpu.sync_copy(zeros_hbm, hdst_sh.at[pl.ds(sid * RPT, RPT)])
        plsc.subcore_barrier()

        def body(i, carry):
            j0 = 2 * i
            j1 = j0 + 1
            ds = [
                pltpu.async_copy(ones_v, hsrc_sh.at[src_v.at[j0]], sem,
                                 add=True),
                pltpu.async_copy(ones_v, hdst_sh.at[dst_v.at[j0]], sem,
                                 add=True),
                pltpu.async_copy(ones_v, hsrc_sh.at[src_v.at[j1]], sem,
                                 add=True),
                pltpu.async_copy(ones_v, hdst_sh.at[dst_v.at[j1]], sem,
                                 add=True),
            ]
            for d in ds:
                d.wait()
            return carry

        lax.fori_loop(0, n_me // 2, body, 0)
        plsc.subcore_barrier()
        sl = pl.ds(sid * RPT, RPT)
        pltpu.sync_copy(hsrc_sh.at[sl], out_hbm.at[cid, 0, sl])
        pltpu.sync_copy(hdst_sh.at[sl], out_hbm.at[cid, 1, sl])

    return deg_kernel


def _make_agg_kernel(groups, last_groups):
    assert groups % SB == 0 and SB % NBUF == 0

    @functools.partial(
        pl.kernel,
        out_type=jax.ShapeDtypeStruct((NC, N_PAD, D), jnp.float32),
        mesh=_mesh,
        scratch_types=[
            pltpu.VMEM((SB, CHUNK), jnp.int32),
            pltpu.VMEM((SB, CHUNK), jnp.int32),
        ] + [pltpu.VMEM((CHUNK, D), jnp.float32)] * NBUF + [
            pltpu.VMEM_SHARED((N_PAD, D), jnp.float32),
        ] + [pltpu.SemaphoreType.DMA] * NBUF,
    )
    def agg_kernel(h_hbm, edges_hbm, zrows_hbm, out_hbm,
                   src_v, dst_v, *rest):
        rows = rest[:NBUF]
        agg_sh = rest[NBUF]
        gsems = rest[NBUF + 1:]
        cid = lax.axis_index("c")
        sid = lax.axis_index("s")
        wid = sid * NC + cid
        n_me = jnp.where(wid == NW - 1, last_groups, groups)
        n_blocks = (n_me + SB - 1) // SB
        pltpu.sync_copy(zrows_hbm, agg_sh.at[pl.ds(sid * RPT, RPT)])
        plsc.subcore_barrier()

        def block(b, carry):
            pltpu.sync_copy(edges_hbm.at[0, wid, pl.ds(b * SB, SB)], src_v)
            pltpu.sync_copy(edges_hbm.at[1, wid, pl.ds(b * SB, SB)], dst_v)
            nblk = jnp.minimum(n_me - b * SB, SB)

            for k in range(NBUF):
                pltpu.async_copy(h_hbm.at[src_v.at[k]], rows[k], gsems[k])

            def body(i, carry2):
                for k in range(NBUF):
                    j = NBUF * i + k
                    pltpu.make_async_copy(h_hbm.at[src_v.at[j]], rows[k],
                                          gsems[k]).wait()
                    pltpu.sync_copy(rows[k], agg_sh.at[dst_v.at[j]],
                                    add=True)

                    @pl.when(j + NBUF < nblk)
                    def _():
                        pltpu.async_copy(h_hbm.at[src_v.at[j + NBUF]],
                                         rows[k], gsems[k])

                return carry2

            lax.fori_loop(0, nblk // NBUF, body, 0)
            return carry

        lax.fori_loop(0, n_blocks, block, 0)
        plsc.subcore_barrier()
        sl = pl.ds(sid * RPT, RPT)
        pltpu.sync_copy(agg_sh.at[sl], out_hbm.at[cid, sl])

    return agg_kernel


def _scale_body(feat_ref, hist_ref, h_ref):
    deg = hist_ref[0] + hist_ref[1]
    scale = lax.rsqrt(jnp.clip(deg, 1.0, None))
    h_ref[...] = feat_ref[...] * scale


def _final_body(p_ref, f0_ref, hist_ref, w_ref, b_ref, out_ref):
    agg = p_ref[0, :N, :] + p_ref[1, :N, :]
    deg = hist_ref[0] + hist_ref[1]
    scale = lax.rsqrt(jnp.clip(deg, 1.0, None))
    rst = agg * scale * (1.0 - ALPHA) + f0_ref[...] * ALPHA
    out_ref[...] = ((1.0 - BETA) * rst
                    + BETA * jnp.dot(rst, w_ref[...],
                                     preferred_element_type=jnp.float32)
                    + b_ref[...])


def kernel(feat, feat_0, edge_index, weight1, bias):
    num_edges = edge_index.shape[1]
    groups, last_groups = _split(num_edges)
    e_pad = NW * CHUNK * groups
    epw = groups * CHUNK
    assert epw % DCHUNK == 0
    dgroups = epw // DCHUNK
    dlast = (num_edges - (NW - 1) * epw) // DCHUNK
    edges_flat = jnp.pad(edge_index, ((0, 0), (0, e_pad - num_edges)))
    edges_deg = edges_flat.reshape(2, NW, dgroups, DCHUNK)
    edges = edges_flat.reshape(2, NW, groups, CHUNK)

    ones_c = jnp.ones((DCHUNK,), jnp.float32)
    zeros_1d = jnp.zeros((RPT,), jnp.float32)
    zeros_rows = jnp.zeros((RPT, D), jnp.float32)

    hists = _make_deg_kernel(dgroups, dlast)(edges_deg, ones_c, zeros_1d)
    hsrc = hists[:, 0, :N].reshape(NC, N, 1)
    hdst = hists[:, 1, :N].reshape(NC, N, 1)

    h = pl.pallas_call(
        _scale_body,
        out_shape=jax.ShapeDtypeStruct((N, D), jnp.float32),
    )(feat, hsrc)

    partials = _make_agg_kernel(groups, last_groups)(h, edges, zeros_rows)

    out = pl.pallas_call(
        _final_body,
        out_shape=jax.ShapeDtypeStruct((N, D), jnp.float32),
    )(partials, feat_0, hdst, weight1, bias.reshape(1, D))
    return out

# --- scband reference (transcript-rebuilt; emitter-appended) ---
"""Pipeline reference for scband-gcn2-conv-47648367182322 (READ-ONLY COPY).

The authoritative reference and input builder live on the scoring server;
editing this copy changes nothing except your own understanding.
"""

import math
import jax, jax.numpy as jnp
import numpy as np

N = 10000
E = 320000
D = 128
ALPHA = 0.1
LAMBDA = 1.0
LAYER = 4
BETA = math.log(LAMBDA / LAYER + 1.0)


def setup_inputs(seed: int = 0) -> dict:
    key = jax.random.key(seed)
    k1, k2, k3, k4 = jax.random.split(key, 4)
    feat = jax.random.normal(k1, (N, D), dtype=jnp.float32)
    feat_0 = jax.random.normal(k2, (N, D), dtype=jnp.float32)
    edge_index = jax.random.randint(k3, (2, E), 0, N, dtype=jnp.int32)
    # learned params per init_kwargs: weight1 ~ normal init, bias zeros
    weight1 = jax.random.normal(k4, (D, D), dtype=jnp.float32)
    bias = jnp.zeros((D,), dtype=jnp.float32)
    return {"feat": feat, "feat_0": feat_0, "edge_index": edge_index,
            "weight1": weight1, "bias": bias}


def reference(feat, feat_0, edge_index, weight1, bias):
    # DGL GCN2Conv forward (project_initial_features=True, bias=True, no activation)
    src = edge_index[0]
    dst = edge_index[1]
    # symmetric normalization: D^{-1/2} A D^{-1/2}
    out_deg = jnp.clip(jnp.bincount(src, length=N).astype(feat.dtype), 1, None)
    in_deg = jnp.clip(jnp.bincount(dst, length=N).astype(feat.dtype), 1, None)
    h = feat * jnp.power(out_deg, -0.5)[:, None]
    # message passing: copy_u + sum aggregation (gather + scatter-add)
    msgs = jnp.take(h, src, axis=0)
    agg = jax.ops.segment_sum(msgs, dst, num_segments=N)
    h = agg * jnp.power(in_deg, -0.5)[:, None]
    # initial residual
    h = h * (1.0 - ALPHA)
    rst = h + feat_0 * ALPHA
    # identity mapping: (1-beta) * rst + beta * rst @ W1
    rst = (1.0 - BETA) * rst + BETA * (rst @ weight1)
    rst = rst + bias
    return rst

if __name__ == "__main__":
    import jax
    _d = setup_inputs()
    print(jax.jit(kernel)(*tuple(_d.values())))

</pallas_src>

<mosaic_0001>
#map = affine_map<(d0, d1) -> (0, 0, 0, 0)>
#map1 = affine_map<(d0, d1) -> (0)>
#map2 = affine_map<(d0, d1) -> (0, 0, 0)>
module attributes {stable_mosaic.version = 14 : i64} {
  func.func @deg_kernel(%arg0: i32, %arg1: i32, %arg2: memref<2x32x80x128xi32, #tpu.memory_space<hbm>>, %arg3: memref<128xf32, #tpu.memory_space<hbm>>, %arg4: memref<640xf32, #tpu.memory_space<hbm>>, %arg5: memref<2x2x10240xf32, #tpu.memory_space<hbm>>, %arg6: memref<80x128xi32, #tpu.memory_space<vmem>>, %arg7: memref<80x128xi32, #tpu.memory_space<vmem>>, %arg8: memref<128xf32, #tpu.memory_space<vmem>>, %arg9: memref<10240xf32, #tpu.memory_space<vmem_shared>>, %arg10: memref<10240xf32, #tpu.memory_space<vmem_shared>>, %arg11: memref<!tpu.dma_semaphore, #tpu.memory_space<semaphore_mem>>) attributes {dimension_semantics = [#tpu.dimension_semantics<core_parallel>, #tpu.dimension_semantics<subcore_parallel>], iteration_bounds = array<i64: 2, 16>, scalar_prefetch = 0 : i64, scratch_operands = 6 : i64, tpu.core_type = #tpu.core_type<sc_vector_subcore>, window_params = [{transform_indices = #map}, {transform_indices = #map1}, {transform_indices = #map1}, {transform_indices = #map2}]} {
    %mul3A = arith.constant 2 : i32
    %mul3A_0 = arith.muli %arg1, %mul3A : i32
    %add3A = arith.addi %mul3A_0, %arg0 : i32
    %eq3A = arith.constant 31 : i32
    %eq3A_1 = arith.cmpi eq, %add3A, %eq3A : i32
    %jit3A = arith.constant 20 : i32
    %jit3A_2 = arith.constant 80 : i32
    %select_n3A = arith.select %eq3A_1, %jit3A, %jit3A_2 : i32
    %run_scoped3A = arith.constant 0 : i32
    "tpu.region"() ({
      %run_scoped3A_40 = tpu.sem_alloc : memref<!tpu.dma_semaphore, #tpu.memory_space<semaphore_mem>>
      %dma_start3A = arith.constant 0 : i32
      %dma_start3A_41 = arith.constant 0 : i32
      %dma_start3A_42 = tpu.memref_slice %arg2[%run_scoped3A, %add3A, %dma_start3A, %dma_start3A_41] : memref<2x32x80x128xi32, #tpu.memory_space<hbm>> -> memref<1x1x80x128xi32, #tpu.memory_space<hbm>>
      %dma_start3A_43 = tpu.memref_squeeze %dma_start3A_42 : memref<1x1x80x128xi32, #tpu.memory_space<hbm>> -> memref<80x128xi32, #tpu.memory_space<hbm>>
      %dma_start3A_44 = arith.constant 0 : i32
      %dma_start3A_45 = arith.constant 0 : i32
      %dma_start3A_46 = tpu.memref_slice %arg2[%run_scoped3A, %add3A, %dma_start3A_44, %dma_start3A_45] : memref<2x32x80x128xi32, #tpu.memory_space<hbm>> -> memref<1x1x80x128xi32, #tpu.memory_space<hbm>>
      %dma_start3A_47 = tpu.memref_squeeze %dma_start3A_46 : memref<1x1x80x128xi32, #tpu.memory_space<hbm>> -> memref<80x128xi32, #tpu.memory_space<hbm>>
      tpu.enqueue_dma source(%dma_start3A_47 : memref<80x128xi32, #tpu.memory_space<hbm>>) target(%arg6 : memref<80x128xi32, #tpu.memory_space<vmem>>) target_semaphore(%run_scoped3A_40 : memref<!tpu.dma_semaphore, #tpu.memory_space<semaphore_mem>>)
      %dma_wait3A = arith.constant 0 : i32
      %dma_wait3A_48 = arith.constant 0 : i32
      %dma_wait3A_49 = tpu.memref_slice %arg2[%run_scoped3A, %add3A, %dma_wait3A, %dma_wait3A_48] : memref<2x32x80x128xi32, #tpu.memory_space<hbm>> -> memref<1x1x80x128xi32, #tpu.memory_space<hbm>>
      %dma_wait3A_50 = tpu.memref_squeeze %dma_wait3A_49 : memref<1x1x80x128xi32, #tpu.memory_space<hbm>> -> memref<80x128xi32, #tpu.memory_space<hbm>>
      %dma_wait3A_51 = arith.constant 0 : i32
      %dma_wait3A_52 = arith.constant 0 : i32
      %dma_wait3A_53 = tpu.memref_slice %arg2[%run_scoped3A, %add3A, %dma_wait3A_51, %dma_wait3A_52] : memref<2x32x80x128xi32, #tpu.memory_space<hbm>> -> memref<1x1x80x128xi32, #tpu.memory_space<hbm>>
      %dma_wait3A_54 = tpu.memref_squeeze %dma_wait3A_53 : memref<1x1x80x128xi32, #tpu.memory_space<hbm>> -> memref<80x128xi32, #tpu.memory_space<hbm>>
      tpu.wait_dma2 semaphore(%run_scoped3A_40 : memref<!tpu.dma_semaphore, #tpu.memory_space<semaphore_mem>>) src(%dma_wait3A_54 : memref<80x128xi32, #tpu.memory_space<hbm>>) dst(%arg6 : memref<80x128xi32, #tpu.memory_space<vmem>>)
      tpu.yield
    }) : () -> ()
    %run_scoped3A_3 = arith.constant 1 : i32
    "tpu.region"() ({
      %run_scoped3A_40 = tpu.sem_alloc : memref<!tpu.dma_semaphore, #tpu.memory_space<semaphore_mem>>
      %dma_start3A = arith.constant 0 : i32
      %dma_start3A_41 = arith.constant 0 : i32
      %dma_start3A_42 = tpu.memref_slice %arg2[%run_scoped3A_3, %add3A, %dma_start3A, %dma_start3A_41] : memref<2x32x80x128xi32, #tpu.memory_space<hbm>> -> memref<1x1x80x128xi32, #tpu.memory_space<hbm>>
      %dma_start3A_43 = tpu.memref_squeeze %dma_start3A_42 : memref<1x1x80x128xi32, #tpu.memory_space<hbm>> -> memref<80x128xi32, #tpu.memory_space<hbm>>
      %dma_start3A_44 = arith.constant 0 : i32
      %dma_start3A_45 = arith.constant 0 : i32
      %dma_start3A_46 = tpu.memref_slice %arg2[%run_scoped3A_3, %add3A, %dma_start3A_44, %dma_start3A_45] : memref<2x32x80x128xi32, #tpu.memory_space<hbm>> -> memref<1x1x80x128xi32, #tpu.memory_space<hbm>>
      %dma_start3A_47 = tpu.memref_squeeze %dma_start3A_46 : memref<1x1x80x128xi32, #tpu.memory_space<hbm>> -> memref<80x128xi32, #tpu.memory_space<hbm>>
      tpu.enqueue_dma source(%dma_start3A_47 : memref<80x128xi32, #tpu.memory_space<hbm>>) target(%arg7 : memref<80x128xi32, #tpu.memory_space<vmem>>) target_semaphore(%run_scoped3A_40 : memref<!tpu.dma_semaphore, #tpu.memory_space<semaphore_mem>>)
      %dma_wait3A = arith.constant 0 : i32
      %dma_wait3A_48 = arith.constant 0 : i32
      %dma_wait3A_49 = tpu.memref_slice %arg2[%run_scoped3A_3, %add3A, %dma_wait3A, %dma_wait3A_48] : memref<2x32x80x128xi32, #tpu.memory_space<hbm>> -> memref<1x1x80x128xi32, #tpu.memory_space<hbm>>
      %dma_wait3A_50 = tpu.memref_squeeze %dma_wait3A_49 : memref<1x1x80x128xi32, #tpu.memory_space<hbm>> -> memref<80x128xi32, #tpu.memory_space<hbm>>
      %dma_wait3A_51 = arith.constant 0 : i32
      %dma_wait3A_52 = arith.constant 0 : i32
      %dma_wait3A_53 = tpu.memref_slice %arg2[%run_scoped3A_3, %add3A, %dma_wait3A_51, %dma_wait3A_52] : memref<2x32x80x128xi32, #tpu.memory_space<hbm>> -> memref<1x1x80x128xi32, #tpu.memory_space<hbm>>
      %dma_wait3A_54 = tpu.memref_squeeze %dma_wait3A_53 : memref<1x1x80x128xi32, #tpu.memory_space<hbm>> -> memref<80x128xi32, #tpu.memory_space<hbm>>
      tpu.wait_dma2 semaphore(%run_scoped3A_40 : memref<!tpu.dma_semaphore, #tpu.memory_space<semaphore_mem>>) src(%dma_wait3A_54 : memref<80x128xi32, #tpu.memory_space<hbm>>) dst(%arg7 : memref<80x128xi32, #tpu.memory_space<vmem>>)
      tpu.yield
    }) : () -> ()
    "tpu.region"() ({
      %run_scoped3A_40 = tpu.sem_alloc : memref<!tpu.dma_semaphore, #tpu.memory_space<semaphore_mem>>
      tpu.enqueue_dma source(%arg3 : memref<128xf32, #tpu.memory_space<hbm>>) target(%arg8 : memref<128xf32, #tpu.memory_space<vmem>>) target_semaphore(%run_scoped3A_40 : memref<!tpu.dma_semaphore, #tpu.memory_space<semaphore_mem>>)
      tpu.wait_dma2 semaphore(%run_scoped3A_40 : memref<!tpu.dma_semaphore, #tpu.memory_space<semaphore_mem>>) src(%arg3 : memref<128xf32, #tpu.memory_space<hbm>>) dst(%arg8 : memref<128xf32, #tpu.memory_space<vmem>>)
      tpu.yield
    }) : () -> ()
    %mul3A_4 = arith.constant 640 : i32
    %mul3A_5 = arith.muli %arg1, %mul3A_4 : i32
    "tpu.region"() ({
      %run_scoped3A_40 = tpu.sem_alloc : memref<!tpu.dma_semaphore, #tpu.memory_space<semaphore_mem>>
      %dma_start3A = tpu.memref_slice %arg9[%mul3A_5] : memref<10240xf32, #tpu.memory_space<vmem_shared>> -> memref<640xf32, #tpu.memory_space<vmem_shared>>
      tpu.enqueue_dma source(%arg4 : memref<640xf32, #tpu.memory_space<hbm>>) target(%dma_start3A : memref<640xf32, #tpu.memory_space<vmem_shared>>) target_semaphore(%run_scoped3A_40 : memref<!tpu.dma_semaphore, #tpu.memory_space<semaphore_mem>>)
      %dma_wait3A = tpu.memref_slice %arg9[%mul3A_5] : memref<10240xf32, #tpu.memory_space<vmem_shared>> -> memref<640xf32, #tpu.memory_space<vmem_shared>>
      tpu.wait_dma2 semaphore(%run_scoped3A_40 : memref<!tpu.dma_semaphore, #tpu.memory_space<semaphore_mem>>) src(%arg4 : memref<640xf32, #tpu.memory_space<hbm>>) dst(%dma_wait3A : memref<640xf32, #tpu.memory_space<vmem_shared>>)
      tpu.yield
    }) : () -> ()
    %mul3A_6 = arith.constant 640 : i32
    %mul3A_7 = arith.muli %arg1, %mul3A_6 : i32
    "tpu.region"() ({
      %run_scoped3A_40 = tpu.sem_alloc : memref<!tpu.dma_semaphore, #tpu.memory_space<semaphore_mem>>
      %dma_start3A = tpu.memref_slice %arg10[%mul3A_7] : memref<10240xf32, #tpu.memory_space<vmem_shared>> -> memref<640xf32, #tpu.memory_space<vmem_shared>>
      tpu.enqueue_dma source(%arg4 : memref<640xf32, #tpu.memory_space<hbm>>) target(%dma_start3A : memref<640xf32, #tpu.memory_space<vmem_shared>>) target_semaphore(%run_scoped3A_40 : memref<!tpu.dma_semaphore, #tpu.memory_space<semaphore_mem>>)
      %dma_wait3A = tpu.memref_slice %arg10[%mul3A_7] : memref<10240xf32, #tpu.memory_space<vmem_shared>> -> memref<640xf32, #tpu.memory_space<vmem_shared>>
      tpu.wait_dma2 semaphore(%run_scoped3A_40 : memref<!tpu.dma_semaphore, #tpu.memory_space<semaphore_mem>>) src(%arg4 : memref<640xf32, #tpu.memory_space<hbm>>) dst(%dma_wait3A : memref<640xf32, #tpu.memory_space<vmem_shared>>)
      tpu.yield
    }) : () -> ()
    %barrier3A = arith.constant 0 : index
    tpu.barrier barrier_id(%barrier3A)
    %jit3A_8 = arith.constant 2 : i32
    %div3A = arith.divsi %select_n3A, %jit3A_8 : i32
    %sign3A = arith.constant 0 : i32
    %sign3A_9 = arith.cmpi sgt, %select_n3A, %sign3A : i32
    %sign3A_10 = arith.extui %sign3A_9 : i1 to i32
    %sign3A_11 = arith.constant 0 : i32
    %sign3A_12 = arith.cmpi slt, %select_n3A, %sign3A_11 : i32
    %sign3A_13 = arith.extui %sign3A_12 : i1 to i32
    %sign3A_14 = arith.subi %sign3A_10, %sign3A_13 : i32
    %sign3A_15 = arith.constant 0 : i32
    %sign3A_16 = arith.cmpi sgt, %jit3A_8, %sign3A_15 : i32
    %sign3A_17 = arith.extui %sign3A_16 : i1 to i32
    %sign3A_18 = arith.constant 0 : i32
    %sign3A_19 = arith.cmpi slt, %jit3A_8, %sign3A_18 : i32
    %sign3A_20 = arith.extui %sign3A_19 : i1 to i32
    %sign3A_21 = arith.subi %sign3A_17, %sign3A_20 : i32
    %ne3A = arith.cmpi ne, %sign3A_14, %sign3A_21 : i32
    %rem3A = arith.remsi %select_n3A, %jit3A_8 : i32
    %ne3A_22 = arith.constant 0 : i32
    %ne3A_23 = arith.cmpi ne, %rem3A, %ne3A_22 : i32
    %and3A = arith.andi %ne3A, %ne3A_23 : i1
    %sub3A = arith.constant 1 : i32
    %sub3A_24 = arith.subi %div3A, %sub3A : i32
    %select_n3A_25 = arith.select %and3A, %sub3A_24, %div3A : i32
    %while3A = arith.constant 0 : i32
    %while3A_26 = arith.constant 0 : i32
    %while3A_27 = arith.subi %select_n3A_25, %while3A_26 : i32
    %while3A_28 = arith.addi %while3A_26, %while3A_27 : i32
    %while3A_29 = arith.constant 1 : i32
    %while3A_30 = arith.divsi %while3A_27, %while3A_29 : i32
    %while3A_31 = arith.muli %while3A_30, %while3A_29 : i32
    %while3A_32 = arith.addi %while3A_26, %while3A_31 : i32
    %while3A_33 = arith.constant 1 : i32
    scf.for %while3A_40 = %while3A_26 to %while3A_32 step %while3A_33  : i32 {
      %mul3A_41 = arith.constant 2 : i32
      %mul3A_42 = arith.muli %mul3A_41, %while3A_40 : i32
      %add3A_43 = arith.constant 1 : i32
      %add3A_44 = arith.addi %mul3A_42, %add3A_43 : i32
      %dma_start3A = arith.constant 0 : i32
      %dma_start3A_45 = tpu.memref_slice %arg6[%mul3A_42, %dma_start3A] : memref<80x128xi32, #tpu.memory_space<vmem>> -> memref<1x128xi32, #tpu.memory_space<vmem>>
      %dma_start3A_46 = tpu.memref_squeeze %dma_start3A_45 : memref<1x128xi32, #tpu.memory_space<vmem>> -> memref<128xi32, #tpu.memory_space<vmem>>
      %dma_start3A_47 = arith.constant 0 : i32
      %dma_start3A_48 = tpu.memref_slice %arg9[%dma_start3A_47] : memref<10240xf32, #tpu.memory_space<vmem_shared>> -> memref<10240xf32, #tpu.memory_space<vmem_shared>>
      tpu.enqueue_indirect_dma source(%arg8 : memref<128xf32, #tpu.memory_space<vmem>>) target(%dma_start3A_48 : memref<10240xf32, #tpu.memory_space<vmem_shared>>) offsets(%dma_start3A_46 : memref<128xi32, #tpu.memory_space<vmem>>) semaphore(%arg11 : memref<!tpu.dma_semaphore, #tpu.memory_space<semaphore_mem>>) {add = true}
      %dma_start3A_49 = arith.constant 0 : i32
      %dma_start3A_50 = tpu.memref_slice %arg7[%mul3A_42, %dma_start3A_49] : memref<80x128xi32, #tpu.memory_space<vmem>> -> memref<1x128xi32, #tpu.memory_space<vmem>>
      %dma_start3A_51 = tpu.memref_squeeze %dma_start3A_50 : memref<1x128xi32, #tpu.memory_space<vmem>> -> memref<128xi32, #tpu.memory_space<vmem>>
      %dma_start3A_52 = arith.constant 0 : i32
      %dma_start3A_53 = tpu.memref_slice %arg10[%dma_start3A_52] : memref<10240xf32, #tpu.memory_space<vmem_shared>> -> memref<10240xf32, #tpu.memory_space<vmem_shared>>
      tpu.enqueue_indirect_dma source(%arg8 : memref<128xf32, #tpu.memory_space<vmem>>) target(%dma_start3A_53 : memref<10240xf32, #tpu.memory_space<vmem_shared>>) offsets(%dma_start3A_51 : memref<128xi32, #tpu.memory_space<vmem>>) semaphore(%arg11 : memref<!tpu.dma_semaphore, #tpu.memory_space<semaphore_mem>>) {add = true}
      %dma_start3A_54 = arith.constant 0 : i32
      %dma_start3A_55 = tpu.memref_slice %arg6[%add3A_44, %dma_start3A_54] : memref<80x128xi32, #tpu.memory_space<vmem>> -> memref<1x128xi32, #tpu.memory_space<vmem>>
      %dma_start3A_56 = tpu.memref_squeeze %dma_start3A_55 : memref<1x128xi32, #tpu.memory_space<vmem>> -> memref<128xi32, #tpu.memory_space<vmem>>
      %dma_start3A_57 = arith.constant 0 : i32
      %dma_start3A_58 = tpu.memref_slice %arg9[%dma_start3A_57] : memref<10240xf32, #tpu.memory_space<vmem_shared>> -> memref<10240xf32, #tpu.memory_space<vmem_shared>>
      tpu.enqueue_indirect_dma source(%arg8 : memref<128xf32, #tpu.memory_space<vmem>>) target(%dma_start3A_58 : memref<10240xf32, #tpu.memory_space<vmem_shared>>) offsets(%dma_start3A_56 : memref<128xi32, #tpu.memory_space<vmem>>) semaphore(%arg11 : memref<!tpu.dma_semaphore, #tpu.memory_space<semaphore_mem>>) {add = true}
      %dma_start3A_59 = arith.constant 0 : i32
      %dma_start3A_60 = tpu.memref_slice %arg7[%add3A_44, %dma_start3A_59] : memref<80x128xi32, #tpu.memory_space<vmem>> -> memref<1x128xi32, #tpu.memory_space<vmem>>
      %dma_start3A_61 = tpu.memref_squeeze %dma_start3A_60 : memref<1x128xi32, #tpu.memory_space<vmem>> -> memref<128xi32, #tpu.memory_space<vmem>>
      %dma_start3A_62 = arith.constant 0 : i32
      %dma_start3A_63 = tpu.memref_slice %arg10[%dma_start3A_62] : memref<10240xf32, #tpu.memory_space<vmem_shared>> -> memref<10240xf32, #tpu.memory_space<vmem_shared>>
      tpu.enqueue_indirect_dma source(%arg8 : memref<128xf32, #tpu.memory_space<vmem>>) target(%dma_start3A_63 : memref<10240xf32, #tpu.memory_space<vmem_shared>>) offsets(%dma_start3A_61 : memref<128xi32, #tpu.memory_space<vmem>>) semaphore(%arg11 : memref<!tpu.dma_semaphore, #tpu.memory_space<semaphore_mem>>) {add = true}
      %dma_wait3A = arith.constant 0 : i32
      %dma_wait3A_64 = tpu.memref_slice %arg6[%mul3A_42, %dma_wait3A] : memref<80x128xi32, #tpu.memory_space<vmem>> -> memref<1x128xi32, #tpu.memory_space<vmem>>
      %dma_wait3A_65 = tpu.memref_squeeze %dma_wait3A_64 : memref<1x128xi32, #tpu.memory_space<vmem>> -> memref<128xi32, #tpu.memory_space<vmem>>
      %dma_wait3A_66 = arith.constant 0 : i32
      %dma_wait3A_67 = tpu.memref_slice %arg9[%dma_wait3A_66] : memref<10240xf32, #tpu.memory_space<vmem_shared>> -> memref<10240xf32, #tpu.memory_space<vmem_shared>>
      tpu.wait_indirect_dma semaphore(%arg11 : memref<!tpu.dma_semaphore, #tpu.memory_space<semaphore_mem>>) src(%arg8 : memref<128xf32, #tpu.memory_space<vmem>>) dst(%dma_wait3A_67 : memref<10240xf32, #tpu.memory_space<vmem_shared>>)
      %dma_wait3A_68 = arith.constant 0 : i32
      %dma_wait3A_69 = tpu.memref_slice %arg7[%mul3A_42, %dma_wait3A_68] : memref<80x128xi32, #tpu.memory_space<vmem>> -> memref<1x128xi32, #tpu.memory_space<vmem>>
      %dma_wait3A_70 = tpu.memref_squeeze %dma_wait3A_69 : memref<1x128xi32, #tpu.memory_space<vmem>> -> memref<128xi32, #tpu.memory_space<vmem>>
      %dma_wait3A_71 = arith.constant 0 : i32
      %dma_wait3A_72 = tpu.memref_slice %arg10[%dma_wait3A_71] : memref<10240xf32, #tpu.memory_space<vmem_shared>> -> memref<10240xf32, #tpu.memory_space<vmem_shared>>
      tpu.wait_indirect_dma semaphore(%arg11 : memref<!tpu.dma_semaphore, #tpu.memory_space<semaphore_mem>>) src(%arg8 : memref<128xf32, #tpu.memory_space<vmem>>) dst(%dma_wait3A_72 : memref<10240xf32, #tpu.memory_space<vmem_shared>>)
      %dma_wait3A_73 = arith.constant 0 : i32
      %dma_wait3A_74 = tpu.memref_slice %arg6[%add3A_44, %dma_wait3A_73] : memref<80x128xi32, #tpu.memory_space<vmem>> -> memref<1x128xi32, #tpu.memory_space<vmem>>
      %dma_wait3A_75 = tpu.memref_squeeze %dma_wait3A_74 : memref<1x128xi32, #tpu.memory_space<vmem>> -> memref<128xi32, #tpu.memory_space<vmem>>
      %dma_wait3A_76 = arith.constant 0 : i32
      %dma_wait3A_77 = tpu.memref_slice %arg9[%dma_wait3A_76] : memref<10240xf32, #tpu.memory_space<vmem_shared>> -> memref<10240xf32, #tpu.memory_space<vmem_shared>>
      tpu.wait_indirect_dma semaphore(%arg11 : memref<!tpu.dma_semaphore, #tpu.memory_space<semaphore_mem>>) src(%arg8 : memref<128xf32, #tpu.memory_space<vmem>>) dst(%dma_wait3A_77 : memref<10240xf32, #tpu.memory_space<vmem_shared>>)
      %dma_wait3A_78 = arith.constant 0 : i32
      %dma_wait3A_79 = tpu.memref_slice %arg7[%add3A_44, %dma_wait3A_78] : memref<80x128xi32, #tpu.memory_space<vmem>> -> memref<1x128xi32, #tpu.memory_space<vmem>>
      %dma_wait3A_80 = tpu.memref_squeeze %dma_wait3A_79 : memref<1x128xi32, #tpu.memory_space<vmem>> -> memref<128xi32, #tpu.memory_space<vmem>>
      %dma_wait3A_81 = arith.constant 0 : i32
      %dma_wait3A_82 = tpu.memref_slice %arg10[%dma_wait3A_81] : memref<10240xf32, #tpu.memory_space<vmem_shared>> -> memref<10240xf32, #tpu.memory_space<vmem_shared>>
      tpu.wait_indirect_dma semaphore(%arg11 : memref<!tpu.dma_semaphore, #tpu.memory_space<semaphore_mem>>) src(%arg8 : memref<128xf32, #tpu.memory_space<vmem>>) dst(%dma_wait3A_82 : memref<10240xf32, #tpu.memory_space<vmem_shared>>)
    }
    %while3A_34 = arith.constant 1 : i32
    scf.for %while3A_40 = %while3A_32 to %while3A_28 step %while3A_34  : i32 {
      %mul3A_41 = arith.constant 2 : i32
      %mul3A_42 = arith.muli %mul3A_41, %while3A_40 : i32
      %add3A_43 = arith.constant 1 : i32
      %add3A_44 = arith.addi %mul3A_42, %add3A_43 : i32
      %dma_start3A = arith.constant 0 : i32
      %dma_start3A_45 = tpu.memref_slice %arg6[%mul3A_42, %dma_start3A] : memref<80x128xi32, #tpu.memory_space<vmem>> -> memref<1x128xi32, #tpu.memory_space<vmem>>
      %dma_start3A_46 = tpu.memref_squeeze %dma_start3A_45 : memref<1x128xi32, #tpu.memory_space<vmem>> -> memref<128xi32, #tpu.memory_space<vmem>>
      %dma_start3A_47 = arith.constant 0 : i32
      %dma_start3A_48 = tpu.memref_slice %arg9[%dma_start3A_47] : memref<10240xf32, #tpu.memory_space<vmem_shared>> -> memref<10240xf32, #tpu.memory_space<vmem_shared>>
      tpu.enqueue_indirect_dma source(%arg8 : memref<128xf32, #tpu.memory_space<vmem>>) target(%dma_start3A_48 : memref<10240xf32, #tpu.memory_space<vmem_shared>>) offsets(%dma_start3A_46 : memref<128xi32, #tpu.memory_space<vmem>>) semaphore(%arg11 : memref<!tpu.dma_semaphore, #tpu.memory_space<semaphore_mem>>) {add = true}
      %dma_start3A_49 = arith.constant 0 : i32
      %dma_start3A_50 = tpu.memref_slice %arg7[%mul3A_42, %dma_start3A_49] : memref<80x128xi32, #tpu.memory_space<vmem>> -> memref<1x128xi32, #tpu.memory_space<vmem>>
      %dma_start3A_51 = tpu.memref_squeeze %dma_start3A_50 : memref<1x128xi32, #tpu.memory_space<vmem>> -> memref<128xi32, #tpu.memory_space<vmem>>
      %dma_start3A_52 = arith.constant 0 : i32
      %dma_start3A_53 = tpu.memref_slice %arg10[%dma_start3A_52] : memref<10240xf32, #tpu.memory_space<vmem_shared>> -> memref<10240xf32, #tpu.memory_space<vmem_shared>>
      tpu.enqueue_indirect_dma source(%arg8 : memref<128xf32, #tpu.memory_space<vmem>>) target(%dma_start3A_53 : memref<10240xf32, #tpu.memory_space<vmem_shared>>) offsets(%dma_start3A_51 : memref<128xi32, #tpu.memory_space<vmem>>) semaphore(%arg11 : memref<!tpu.dma_semaphore, #tpu.memory_space<semaphore_mem>>) {add = true}
      %dma_start3A_54 = arith.constant 0 : i32
      %dma_start3A_55 = tpu.memref_slice %arg6[%add3A_44, %dma_start3A_54] : memref<80x128xi32, #tpu.memory_space<vmem>> -> memref<1x128xi32, #tpu.memory_space<vmem>>
      %dma_start3A_56 = tpu.memref_squeeze %dma_start3A_55 : memref<1x128xi32, #tpu.memory_space<vmem>> -> memref<128xi32, #tpu.memory_space<vmem>>
      %dma_start3A_57 = arith.constant 0 : i32
      %dma_start3A_58 = tpu.memref_slice %arg9[%dma_start3A_57] : memref<10240xf32, #tpu.memory_space<vmem_shared>> -> memref<10240xf32, #tpu.memory_space<vmem_shared>>
      tpu.enqueue_indirect_dma source(%arg8 : memref<128xf32, #tpu.memory_space<vmem>>) target(%dma_start3A_58 : memref<10240xf32, #tpu.memory_space<vmem_shared>>) offsets(%dma_start3A_56 : memref<128xi32, #tpu.memory_space<vmem>>) semaphore(%arg11 : memref<!tpu.dma_semaphore, #tpu.memory_space<semaphore_mem>>) {add = true}
      %dma_start3A_59 = arith.constant 0 : i32
      %dma_start3A_60 = tpu.memref_slice %arg7[%add3A_44, %dma_start3A_59] : memref<80x128xi32, #tpu.memory_space<vmem>> -> memref<1x128xi32, #tpu.memory_space<vmem>>
      %dma_start3A_61 = tpu.memref_squeeze %dma_start3A_60 : memref<1x128xi32, #tpu.memory_space<vmem>> -> memref<128xi32, #tpu.memory_space<vmem>>
      %dma_start3A_62 = arith.constant 0 : i32
      %dma_start3A_63 = tpu.memref_slice %arg10[%dma_start3A_62] : memref<10240xf32, #tpu.memory_space<vmem_shared>> -> memref<10240xf32, #tpu.memory_space<vmem_shared>>
      tpu.enqueue_indirect_dma source(%arg8 : memref<128xf32, #tpu.memory_space<vmem>>) target(%dma_start3A_63 : memref<10240xf32, #tpu.memory_space<vmem_shared>>) offsets(%dma_start3A_61 : memref<128xi32, #tpu.memory_space<vmem>>) semaphore(%arg11 : memref<!tpu.dma_semaphore, #tpu.memory_space<semaphore_mem>>) {add = true}
      %dma_wait3A = arith.constant 0 : i32
      %dma_wait3A_64 = tpu.memref_slice %arg6[%mul3A_42, %dma_wait3A] : memref<80x128xi32, #tpu.memory_space<vmem>> -> memref<1x128xi32, #tpu.memory_space<vmem>>
      %dma_wait3A_65 = tpu.memref_squeeze %dma_wait3A_64 : memref<1x128xi32, #tpu.memory_space<vmem>> -> memref<128xi32, #tpu.memory_space<vmem>>
      %dma_wait3A_66 = arith.constant 0 : i32
      %dma_wait3A_67 = tpu.memref_slice %arg9[%dma_wait3A_66] : memref<10240xf32, #tpu.memory_space<vmem_shared>> -> memref<10240xf32, #tpu.memory_space<vmem_shared>>
      tpu.wait_indirect_dma semaphore(%arg11 : memref<!tpu.dma_semaphore, #tpu.memory_space<semaphore_mem>>) src(%arg8 : memref<128xf32, #tpu.memory_space<vmem>>) dst(%dma_wait3A_67 : memref<10240xf32, #tpu.memory_space<vmem_shared>>)
      %dma_wait3A_68 = arith.constant 0 : i32
      %dma_wait3A_69 = tpu.memref_slice %arg7[%mul3A_42, %dma_wait3A_68] : memref<80x128xi32, #tpu.memory_space<vmem>> -> memref<1x128xi32, #tpu.memory_space<vmem>>
      %dma_wait3A_70 = tpu.memref_squeeze %dma_wait3A_69 : memref<1x128xi32, #tpu.memory_space<vmem>> -> memref<128xi32, #tpu.memory_space<vmem>>
      %dma_wait3A_71 = arith.constant 0 : i32
      %dma_wait3A_72 = tpu.memref_slice %arg10[%dma_wait3A_71] : memref<10240xf32, #tpu.memory_space<vmem_shared>> -> memref<10240xf32, #tpu.memory_space<vmem_shared>>
      tpu.wait_indirect_dma semaphore(%arg11 : memref<!tpu.dma_semaphore, #tpu.memory_space<semaphore_mem>>) src(%arg8 : memref<128xf32, #tpu.memory_space<vmem>>) dst(%dma_wait3A_72 : memref<10240xf32, #tpu.memory_space<vmem_shared>>)
      %dma_wait3A_73 = arith.constant 0 : i32
      %dma_wait3A_74 = tpu.memref_slice %arg6[%add3A_44, %dma_wait3A_73] : memref<80x128xi32, #tpu.memory_space<vmem>> -> memref<1x128xi32, #tpu.memory_space<vmem>>
      %dma_wait3A_75 = tpu.memref_squeeze %dma_wait3A_74 : memref<1x128xi32, #tpu.memory_space<vmem>> -> memref<128xi32, #tpu.memory_space<vmem>>
      %dma_wait3A_76 = arith.constant 0 : i32
      %dma_wait3A_77 = tpu.memref_slice %arg9[%dma_wait3A_76] : memref<10240xf32, #tpu.memory_space<vmem_shared>> -> memref<10240xf32, #tpu.memory_space<vmem_shared>>
      tpu.wait_indirect_dma semaphore(%arg11 : memref<!tpu.dma_semaphore, #tpu.memory_space<semaphore_mem>>) src(%arg8 : memref<128xf32, #tpu.memory_space<vmem>>) dst(%dma_wait3A_77 : memref<10240xf32, #tpu.memory_space<vmem_shared>>)
      %dma_wait3A_78 = arith.constant 0 : i32
      %dma_wait3A_79 = tpu.memref_slice %arg7[%add3A_44, %dma_wait3A_78] : memref<80x128xi32, #tpu.memory_space<vmem>> -> memref<1x128xi32, #tpu.memory_space<vmem>>
      %dma_wait3A_80 = tpu.memref_squeeze %dma_wait3A_79 : memref<1x128xi32, #tpu.memory_space<vmem>> -> memref<128xi32, #tpu.memory_space<vmem>>
      %dma_wait3A_81 = arith.constant 0 : i32
      %dma_wait3A_82 = tpu.memref_slice %arg10[%dma_wait3A_81] : memref<10240xf32, #tpu.memory_space<vmem_shared>> -> memref<10240xf32, #tpu.memory_space<vmem_shared>>
      tpu.wait_indirect_dma semaphore(%arg11 : memref<!tpu.dma_semaphore, #tpu.memory_space<semaphore_mem>>) src(%arg8 : memref<128xf32, #tpu.memory_space<vmem>>) dst(%dma_wait3A_82 : memref<10240xf32, #tpu.memory_space<vmem_shared>>)
    }
    %barrier3A_35 = arith.constant 0 : index
    tpu.barrier barrier_id(%barrier3A_35)
    %mul3A_36 = arith.constant 640 : i32
    %mul3A_37 = arith.muli %arg1, %mul3A_36 : i32
    %run_scoped3A_38 = arith.constant 0 : i32
    "tpu.region"() ({
      %run_scoped3A_40 = tpu.sem_alloc : memref<!tpu.dma_semaphore, #tpu.memory_space<semaphore_mem>>
      %dma_start3A = tpu.memref_slice %arg5[%arg0, %run_scoped3A_38, %mul3A_37] : memref<2x2x10240xf32, #tpu.memory_space<hbm>> -> memref<1x1x640xf32, #tpu.memory_space<hbm>>
      %dma_start3A_41 = tpu.memref_squeeze %dma_start3A : memref<1x1x640xf32, #tpu.memory_space<hbm>> -> memref<640xf32, #tpu.memory_space<hbm>>
      %dma_start3A_42 = tpu.memref_slice %arg9[%mul3A_37] : memref<10240xf32, #tpu.memory_space<vmem_shared>> -> memref<640xf32, #tpu.memory_space<vmem_shared>>
      tpu.enqueue_dma source(%dma_start3A_42 : memref<640xf32, #tpu.memory_space<vmem_shared>>) target(%dma_start3A_41 : memref<640xf32, #tpu.memory_space<hbm>>) target_semaphore(%run_scoped3A_40 : memref<!tpu.dma_semaphore, #tpu.memory_space<semaphore_mem>>)
      %dma_wait3A = tpu.memref_slice %arg5[%arg0, %run_scoped3A_38, %mul3A_37] : memref<2x2x10240xf32, #tpu.memory_space<hbm>> -> memref<1x1x640xf32, #tpu.memory_space<hbm>>
      %dma_wait3A_43 = tpu.memref_squeeze %dma_wait3A : memref<1x1x640xf32, #tpu.memory_space<hbm>> -> memref<640xf32, #tpu.memory_space<hbm>>
      %dma_wait3A_44 = tpu.memref_slice %arg9[%mul3A_37] : memref<10240xf32, #tpu.memory_space<vmem_shared>> -> memref<640xf32, #tpu.memory_space<vmem_shared>>
      tpu.wait_dma2 semaphore(%run_scoped3A_40 : memref<!tpu.dma_semaphore, #tpu.memory_space<semaphore_mem>>) src(%dma_wait3A_44 : memref<640xf32, #tpu.memory_space<vmem_shared>>) dst(%dma_wait3A_43 : memref<640xf32, #tpu.memory_space<hbm>>)
      tpu.yield
    }) : () -> ()
    %run_scoped3A_39 = arith.constant 1 : i32
    "tpu.region"() ({
      %run_scoped3A_40 = tpu.sem_alloc : memref<!tpu.dma_semaphore, #tpu.memory_space<semaphore_mem>>
      %dma_start3A = tpu.memref_slice %arg5[%arg0, %run_scoped3A_39, %mul3A_37] : memref<2x2x10240xf32, #tpu.memory_space<hbm>> -> memref<1x1x640xf32, #tpu.memory_space<hbm>>
      %dma_start3A_41 = tpu.memref_squeeze %dma_start3A : memref<1x1x640xf32, #tpu.memory_space<hbm>> -> memref<640xf32, #tpu.memory_space<hbm>>
      %dma_start3A_42 = tpu.memref_slice %arg10[%mul3A_37] : memref<10240xf32, #tpu.memory_space<vmem_shared>> -> memref<640xf32, #tpu.memory_space<vmem_shared>>
      tpu.enqueue_dma source(%dma_start3A_42 : memref<640xf32, #tpu.memory_space<vmem_shared>>) target(%dma_start3A_41 : memref<640xf32, #tpu.memory_space<hbm>>) target_semaphore(%run_scoped3A_40 : memref<!tpu.dma_semaphore, #tpu.memory_space<semaphore_mem>>)
      %dma_wait3A = tpu.memref_slice %arg5[%arg0, %run_scoped3A_39, %mul3A_37] : memref<2x2x10240xf32, #tpu.memory_space<hbm>> -> memref<1x1x640xf32, #tpu.memory_space<hbm>>
      %dma_wait3A_43 = tpu.memref_squeeze %dma_wait3A : memref<1x1x640xf32, #tpu.memory_space<hbm>> -> memref<640xf32, #tpu.memory_space<hbm>>
      %dma_wait3A_44 = tpu.memref_slice %arg10[%mul3A_37] : memref<10240xf32, #tpu.memory_space<vmem_shared>> -> memref<640xf32, #tpu.memory_space<vmem_shared>>
      tpu.wait_dma2 semaphore(%run_scoped3A_40 : memref<!tpu.dma_semaphore, #tpu.memory_space<semaphore_mem>>) src(%dma_wait3A_44 : memref<640xf32, #tpu.memory_space<vmem_shared>>) dst(%dma_wait3A_43 : memref<640xf32, #tpu.memory_space<hbm>>)
      tpu.yield
    }) : () -> ()
    return
  }
}

#map = affine_map<(d0, d1) -> (0, 0)>
#map1 = affine_map<(d0, d1) -> (0, 0, 0, 0)>
#map2 = affine_map<(d0, d1) -> (0, 0, 0)>
module attributes {stable_mosaic.version = 14 : i64} {
  func.func @agg_kernel(%arg0: i32, %arg1: i32, %arg2: memref<10000x128xf32, #tpu.memory_space<hbm>>, %arg3: memref<2x32x160x64xi32, #tpu.memory_space<hbm>>, %arg4: memref<640x128xf32, #tpu.memory_space<hbm>>, %arg5: memref<2x10240x128xf32, #tpu.memory_space<hbm>>, %arg6: memref<32x64xi32, #tpu.memory_space<vmem>>, %arg7: memref<32x64xi32, #tpu.memory_space<vmem>>, %arg8: memref<64x128xf32, #tpu.memory_space<vmem>>, %arg9: memref<64x128xf32, #tpu.memory_space<vmem>>, %arg10: memref<64x128xf32, #tpu.memory_space<vmem>>, %arg11: memref<64x128xf32, #tpu.memory_space<vmem>>, %arg12: memref<10240x128xf32, #tpu.memory_space<vmem_shared>>, %arg13: memref<!tpu.dma_semaphore, #tpu.memory_space<semaphore_mem>>, %arg14: memref<!tpu.dma_semaphore, #tpu.memory_space<semaphore_mem>>, %arg15: memref<!tpu.dma_semaphore, #tpu.memory_space<semaphore_mem>>, %arg16: memref<!tpu.dma_semaphore, #tpu.memory_space<semaphore_mem>>) attributes {dimension_semantics = [#tpu.dimension_semantics<core_parallel>, #tpu.dimension_semantics<subcore_parallel>], iteration_bounds = array<i64: 2, 16>, scalar_prefetch = 0 : i64, scratch_operands = 11 : i64, tpu.core_type = #tpu.core_type<sc_vector_subcore>, window_params = [{transform_indices = #map}, {transform_indices = #map1}, {transform_indices = #map}, {transform_indices = #map2}]} {
    %mul3A = arith.constant 2 : i32
    %mul3A_0 = arith.muli %arg1, %mul3A : i32
    %add3A = arith.addi %mul3A_0, %arg0 : i32
    %eq3A = arith.constant 31 : i32
    %eq3A_1 = arith.cmpi eq, %add3A, %eq3A : i32
    %jit3A = arith.constant 40 : i32
    %jit3A_2 = arith.constant 160 : i32
    %select_n3A = arith.select %eq3A_1, %jit3A, %jit3A_2 : i32
    %add3A_3 = arith.constant 32 : i32
    %add3A_4 = arith.addi %select_n3A, %add3A_3 : i32
    %sub3A = arith.constant 1 : i32
    %sub3A_5 = arith.subi %add3A_4, %sub3A : i32
    %jit3A_6 = arith.constant 32 : i32
    %div3A = arith.divsi %sub3A_5, %jit3A_6 : i32
    %sign3A = arith.constant 0 : i32
    %sign3A_7 = arith.cmpi sgt, %sub3A_5, %sign3A : i32
    %sign3A_8 = arith.extui %sign3A_7 : i1 to i32
    %sign3A_9 = arith.constant 0 : i32
    %sign3A_10 = arith.cmpi slt, %sub3A_5, %sign3A_9 : i32
    %sign3A_11 = arith.extui %sign3A_10 : i1 to i32
    %sign3A_12 = arith.subi %sign3A_8, %sign3A_11 : i32
    %sign3A_13 = arith.constant 0 : i32
    %sign3A_14 = arith.cmpi sgt, %jit3A_6, %sign3A_13 : i32
    %sign3A_15 = arith.extui %sign3A_14 : i1 to i32
    %sign3A_16 = arith.constant 0 : i32
    %sign3A_17 = arith.cmpi slt, %jit3A_6, %sign3A_16 : i32
    %sign3A_18 = arith.extui %sign3A_17 : i1 to i32
    %sign3A_19 = arith.subi %sign3A_15, %sign3A_18 : i32
    %ne3A = arith.cmpi ne, %sign3A_12, %sign3A_19 : i32
    %rem3A = arith.remsi %sub3A_5, %jit3A_6 : i32
    %ne3A_20 = arith.constant 0 : i32
    %ne3A_21 = arith.cmpi ne, %rem3A, %ne3A_20 : i32
    %and3A = arith.andi %ne3A, %ne3A_21 : i1
    %sub3A_22 = arith.constant 1 : i32
    %sub3A_23 = arith.subi %div3A, %sub3A_22 : i32
    %select_n3A_24 = arith.select %and3A, %sub3A_23, %div3A : i32
    %mul3A_25 = arith.constant 640 : i32
    %mul3A_26 = arith.muli %arg1, %mul3A_25 : i32
    "tpu.region"() ({
      %run_scoped3A = tpu.sem_alloc : memref<!tpu.dma_semaphore, #tpu.memory_space<semaphore_mem>>
      %dma_start3A = arith.constant 0 : i32
      %dma_start3A_39 = tpu.memref_slice %arg12[%mul3A_26, %dma_start3A] : memref<10240x128xf32, #tpu.memory_space<vmem_shared>> -> memref<640x128xf32, #tpu.memory_space<vmem_shared>>
      tpu.enqueue_dma source(%arg4 : memref<640x128xf32, #tpu.memory_space<hbm>>) target(%dma_start3A_39 : memref<640x128xf32, #tpu.memory_space<vmem_shared>>) target_semaphore(%run_scoped3A : memref<!tpu.dma_semaphore, #tpu.memory_space<semaphore_mem>>)
      %dma_wait3A = arith.constant 0 : i32
      %dma_wait3A_40 = tpu.memref_slice %arg12[%mul3A_26, %dma_wait3A] : memref<10240x128xf32, #tpu.memory_space<vmem_shared>> -> memref<640x128xf32, #tpu.memory_space<vmem_shared>>
      tpu.wait_dma2 semaphore(%run_scoped3A : memref<!tpu.dma_semaphore, #tpu.memory_space<semaphore_mem>>) src(%arg4 : memref<640x128xf32, #tpu.memory_space<hbm>>) dst(%dma_wait3A_40 : memref<640x128xf32, #tpu.memory_space<vmem_shared>>)
      tpu.yield
    }) : () -> ()
    %barrier3A = arith.constant 0 : index
    tpu.barrier barrier_id(%barrier3A)
    %while3A = arith.constant 0 : i32
    %while3A_27 = arith.constant 0 : i32
    %while3A_28 = arith.subi %select_n3A_24, %while3A_27 : i32
    %while3A_29 = arith.addi %while3A_27, %while3A_28 : i32
    %while3A_30 = arith.constant 1 : i32
    %while3A_31 = arith.divsi %while3A_28, %while3A_30 : i32
    %while3A_32 = arith.muli %while3A_31, %while3A_30 : i32
    %while3A_33 = arith.addi %while3A_27, %while3A_32 : i32
    %while3A_34 = arith.constant 1 : i32
    scf.for %while3A_39 = %while3A_27 to %while3A_33 step %while3A_34  : i32 {
      %mul3A_40 = arith.constant 32 : i32
      %mul3A_41 = arith.muli %while3A_39, %mul3A_40 : i32
      %run_scoped3A = arith.constant 0 : i32
      "tpu.region"() ({
        %run_scoped3A_110 = tpu.sem_alloc : memref<!tpu.dma_semaphore, #tpu.memory_space<semaphore_mem>>
        %dma_start3A_111 = arith.constant 0 : i32
        %dma_start3A_112 = tpu.memref_slice %arg3[%run_scoped3A, %add3A, %mul3A_41, %dma_start3A_111] : memref<2x32x160x64xi32, #tpu.memory_space<hbm>> -> memref<1x1x32x64xi32, #tpu.memory_space<hbm>>
        %dma_start3A_113 = tpu.memref_squeeze %dma_start3A_112 : memref<1x1x32x64xi32, #tpu.memory_space<hbm>> -> memref<32x64xi32, #tpu.memory_space<hbm>>
        %dma_start3A_114 = arith.constant 0 : i32
        %dma_start3A_115 = tpu.memref_slice %arg3[%run_scoped3A, %add3A, %mul3A_41, %dma_start3A_114] : memref<2x32x160x64xi32, #tpu.memory_space<hbm>> -> memref<1x1x32x64xi32, #tpu.memory_space<hbm>>
        %dma_start3A_116 = tpu.memref_squeeze %dma_start3A_115 : memref<1x1x32x64xi32, #tpu.memory_space<hbm>> -> memref<32x64xi32, #tpu.memory_space<hbm>>
        tpu.enqueue_dma source(%dma_start3A_116 : memref<32x64xi32, #tpu.memory_space<hbm>>) target(%arg6 : memref<32x64xi32, #tpu.memory_space<vmem>>) target_semaphore(%run_scoped3A_110 : memref<!tpu.dma_semaphore, #tpu.memory_space<semaphore_mem>>)
        %dma_wait3A = arith.constant 0 : i32
        %dma_wait3A_117 = tpu.memref_slice %arg3[%run_scoped3A, %add3A, %mul3A_41, %dma_wait3A] : memref<2x32x160x64xi32, #tpu.memory_space<hbm>> -> memref<1x1x32x64xi32, #tpu.memory_space<hbm>>
        %dma_wait3A_118 = tpu.memref_squeeze %dma_wait3A_117 : memref<1x1x32x64xi32, #tpu.memory_space<hbm>> -> memref<32x64xi32, #tpu.memory_space<hbm>>
        %dma_wait3A_119 = arith.constant 0 : i32
        %dma_wait3A_120 = tpu.memref_slice %arg3[%run_scoped3A, %add3A, %mul3A_41, %dma_wait3A_119] : memref<2x32x160x64xi32, #tpu.memory_space<hbm>> -> memref<1x1x32x64xi32, #tpu.memory_space<hbm>>
        %dma_wait3A_121 = tpu.memref_squeeze %dma_wait3A_120 : memref<1x1x32x64xi32, #tpu.memory_space<hbm>> -> memref<32x64xi32, #tpu.memory_space<hbm>>
        tpu.wait_dma2 semaphore(%run_scoped3A_110 : memref<!tpu.dma_semaphore, #tpu.memory_space<semaphore_mem>>) src(%dma_wait3A_121 : memref<32x64xi32, #tpu.memory_space<hbm>>) dst(%arg6 : memref<32x64xi32, #tpu.memory_space<vmem>>)
        tpu.yield
      }) : () -> ()
      %mul3A_42 = arith.constant 32 : i32
      %mul3A_43 = arith.muli %while3A_39, %mul3A_42 : i32
      %run_scoped3A_44 = arith.constant 1 : i32
      "tpu.region"() ({
        %run_scoped3A_110 = tpu.sem_alloc : memref<!tpu.dma_semaphore, #tpu.memory_space<semaphore_mem>>
        %dma_start3A_111 = arith.constant 0 : i32
        %dma_start3A_112 = tpu.memref_slice %arg3[%run_scoped3A_44, %add3A, %mul3A_43, %dma_start3A_111] : memref<2x32x160x64xi32, #tpu.memory_space<hbm>> -> memref<1x1x32x64xi32, #tpu.memory_space<hbm>>
        %dma_start3A_113 = tpu.memref_squeeze %dma_start3A_112 : memref<1x1x32x64xi32, #tpu.memory_space<hbm>> -> memref<32x64xi32, #tpu.memory_space<hbm>>
        %dma_start3A_114 = arith.constant 0 : i32
        %dma_start3A_115 = tpu.memref_slice %arg3[%run_scoped3A_44, %add3A, %mul3A_43, %dma_start3A_114] : memref<2x32x160x64xi32, #tpu.memory_space<hbm>> -> memref<1x1x32x64xi32, #tpu.memory_space<hbm>>
        %dma_start3A_116 = tpu.memref_squeeze %dma_start3A_115 : memref<1x1x32x64xi32, #tpu.memory_space<hbm>> -> memref<32x64xi32, #tpu.memory_space<hbm>>
        tpu.enqueue_dma source(%dma_start3A_116 : memref<32x64xi32, #tpu.memory_space<hbm>>) target(%arg7 : memref<32x64xi32, #tpu.memory_space<vmem>>) target_semaphore(%run_scoped3A_110 : memref<!tpu.dma_semaphore, #tpu.memory_space<semaphore_mem>>)
        %dma_wait3A = arith.constant 0 : i32
        %dma_wait3A_117 = tpu.memref_slice %arg3[%run_scoped3A_44, %add3A, %mul3A_43, %dma_wait3A] : memref<2x32x160x64xi32, #tpu.memory_space<hbm>> -> memref<1x1x32x64xi32, #tpu.memory_space<hbm>>
        %dma_wait3A_118 = tpu.memref_squeeze %dma_wait3A_117 : memref<1x1x32x64xi32, #tpu.memory_space<hbm>> -> memref<32x64xi32, #tpu.memory_space<hbm>>
        %dma_wait3A_119 = arith.constant 0 : i32
        %dma_wait3A_120 = tpu.memref_slice %arg3[%run_scoped3A_44, %add3A, %mul3A_43, %dma_wait3A_119] : memref<2x32x160x64xi32, #tpu.memory_space<hbm>> -> memref<1x1x32x64xi32, #tpu.memory_space<hbm>>
        %dma_wait3A_121 = tpu.memref_squeeze %dma_wait3A_120 : memref<1x1x32x64xi32, #tpu.memory_space<hbm>> -> memref<32x64xi32, #tpu.memory_space<hbm>>
        tpu.wait_dma2 semaphore(%run_scoped3A_110 : memref<!tpu.dma_semaphore, #tpu.memory_space<semaphore_mem>>) src(%dma_wait3A_121 : memref<32x64xi32, #tpu.memory_space<hbm>>) dst(%arg7 : memref<32x64xi32, #tpu.memory_space<vmem>>)
        tpu.yield
      }) : () -> ()
      %mul3A_45 = arith.constant 32 : i32
      %mul3A_46 = arith.muli %while3A_39, %mul3A_45 : i32
      %sub3A_47 = arith.subi %select_n3A, %mul3A_46 : i32
      %min3A = arith.constant 32 : i32
      %min3A_48 = arith.minsi %sub3A_47, %min3A : i32
      %dma_start3A = arith.constant 0 : i32
      %dma_start3A_49 = arith.constant 0 : i32
      %dma_start3A_50 = tpu.memref_slice %arg6[%dma_start3A, %dma_start3A_49] : memref<32x64xi32, #tpu.memory_space<vmem>> -> memref<1x64xi32, #tpu.memory_space<vmem>>
      %dma_start3A_51 = tpu.memref_squeeze %dma_start3A_50 : memref<1x64xi32, #tpu.memory_space<vmem>> -> memref<64xi32, #tpu.memory_space<vmem>>
      %dma_start3A_52 = arith.constant 0 : i32
      %dma_start3A_53 = arith.constant 0 : i32
      %dma_start3A_54 = tpu.memref_slice %arg2[%dma_start3A_52, %dma_start3A_53] : memref<10000x128xf32, #tpu.memory_space<hbm>> -> memref<10000x128xf32, #tpu.memory_space<hbm>>
      tpu.enqueue_indirect_dma source(%dma_start3A_54 : memref<10000x128xf32, #tpu.memory_space<hbm>>) target(%arg8 : memref<64x128xf32, #tpu.memory_space<vmem>>) offsets(%dma_start3A_51 : memref<64xi32, #tpu.memory_space<vmem>>) semaphore(%arg13 : memref<!tpu.dma_semaphore, #tpu.memory_space<semaphore_mem>>)
      %dma_start3A_55 = arith.constant 1 : i32
      %dma_start3A_56 = arith.constant 0 : i32
      %dma_start3A_57 = tpu.memref_slice %arg6[%dma_start3A_55, %dma_start3A_56] : memref<32x64xi32, #tpu.memory_space<vmem>> -> memref<1x64xi32, #tpu.memory_space<vmem>>
      %dma_start3A_58 = tpu.memref_squeeze %dma_start3A_57 : memref<1x64xi32, #tpu.memory_space<vmem>> -> memref<64xi32, #tpu.memory_space<vmem>>
      %dma_start3A_59 = arith.constant 0 : i32
      %dma_start3A_60 = arith.constant 0 : i32
      %dma_start3A_61 = tpu.memref_slice %arg2[%dma_start3A_59, %dma_start3A_60] : memref<10000x128xf32, #tpu.memory_space<hbm>> -> memref<10000x128xf32, #tpu.memory_space<hbm>>
      tpu.enqueue_indirect_dma source(%dma_start3A_61 : memref<10000x128xf32, #tpu.memory_space<hbm>>) target(%arg9 : memref<64x128xf32, #tpu.memory_space<vmem>>) offsets(%dma_start3A_58 : memref<64xi32, #tpu.memory_space<vmem>>) semaphore(%arg14 : memref<!tpu.dma_semaphore, #tpu.memory_space<semaphore_mem>>)
      %dma_start3A_62 = arith.constant 2 : i32
      %dma_start3A_63 = arith.constant 0 : i32
      %dma_start3A_64 = tpu.memref_slice %arg6[%dma_start3A_62, %dma_start3A_63] : memref<32x64xi32, #tpu.memory_space<vmem>> -> memref<1x64xi32, #tpu.memory_space<vmem>>
      %dma_start3A_65 = tpu.memref_squeeze %dma_start3A_64 : memref<1x64xi32, #tpu.memory_space<vmem>> -> memref<64xi32, #tpu.memory_space<vmem>>
      %dma_start3A_66 = arith.constant 0 : i32
      %dma_start3A_67 = arith.constant 0 : i32
      %dma_start3A_68 = tpu.memref_slice %arg2[%dma_start3A_66, %dma_start3A_67] : memref<10000x128xf32, #tpu.memory_space<hbm>> -> memref<10000x128xf32, #tpu.memory_space<hbm>>
      tpu.enqueue_indirect_dma source(%dma_start3A_68 : memref<10000x128xf32, #tpu.memory_space<hbm>>) target(%arg10 : memref<64x128xf32, #tpu.memory_space<vmem>>) offsets(%dma_start3A_65 : memref<64xi32, #tpu.memory_space<vmem>>) semaphore(%arg15 : memref<!tpu.dma_semaphore, #tpu.memory_space<semaphore_mem>>)
      %dma_start3A_69 = arith.constant 3 : i32
      %dma_start3A_70 = arith.constant 0 : i32
      %dma_start3A_71 = tpu.memref_slice %arg6[%dma_start3A_69, %dma_start3A_70] : memref<32x64xi32, #tpu.memory_space<vmem>> -> memref<1x64xi32, #tpu.memory_space<vmem>>
      %dma_start3A_72 = tpu.memref_squeeze %dma_start3A_71 : memref<1x64xi32, #tpu.memory_space<vmem>> -> memref<64xi32, #tpu.memory_space<vmem>>
      %dma_start3A_73 = arith.constant 0 : i32
      %dma_start3A_74 = arith.constant 0 : i32
      %dma_start3A_75 = tpu.memref_slice %arg2[%dma_start3A_73, %dma_start3A_74] : memref<10000x128xf32, #tpu.memory_space<hbm>> -> memref<10000x128xf32, #tpu.memory_space<hbm>>
      tpu.enqueue_indirect_dma source(%dma_start3A_75 : memref<10000x128xf32, #tpu.memory_space<hbm>>) target(%arg11 : memref<64x128xf32, #tpu.memory_space<vmem>>) offsets(%dma_start3A_72 : memref<64xi32, #tpu.memory_space<vmem>>) semaphore(%arg16 : memref<!tpu.dma_semaphore, #tpu.memory_space<semaphore_mem>>)
      %jit3A_76 = arith.constant 4 : i32
      %div3A_77 = arith.divsi %min3A_48, %jit3A_76 : i32
      %sign3A_78 = arith.constant 0 : i32
      %sign3A_79 = arith.cmpi sgt, %min3A_48, %sign3A_78 : i32
      %sign3A_80 = arith.extui %sign3A_79 : i1 to i32
      %sign3A_81 = arith.constant 0 : i32
      %sign3A_82 = arith.cmpi slt, %min3A_48, %sign3A_81 : i32
      %sign3A_83 = arith.extui %sign3A_82 : i1 to i32
      %sign3A_84 = arith.subi %sign3A_80, %sign3A_83 : i32
      %sign3A_85 = arith.constant 0 : i32
      %sign3A_86 = arith.cmpi sgt, %jit3A_76, %sign3A_85 : i32
      %sign3A_87 = arith.extui %sign3A_86 : i1 to i32
      %sign3A_88 = arith.constant 0 : i32
      %sign3A_89 = arith.cmpi slt, %jit3A_76, %sign3A_88 : i32
      %sign3A_90 = arith.extui %sign3A_89 : i1 to i32
      %sign3A_91 = arith.subi %sign3A_87, %sign3A_90 : i32
      %ne3A_92 = arith.cmpi ne, %sign3A_84, %sign3A_91 : i32
      %rem3A_93 = arith.remsi %min3A_48, %jit3A_76 : i32
      %ne3A_94 = arith.constant 0 : i32
      %ne3A_95 = arith.cmpi ne, %rem3A_93, %ne3A_94 : i32
      %and3A_96 = arith.andi %ne3A_92, %ne3A_95 : i1
      %sub3A_97 = arith.constant 1 : i32
      %sub3A_98 = arith.subi %div3A_77, %sub3A_97 : i32
      %select_n3A_99 = arith.select %and3A_96, %sub3A_98, %div3A_77 : i32
      %while3A_100 = arith.constant 0 : i32
      %while3A_101 = arith.constant 0 : i32
      %while3A_102 = arith.subi %select_n3A_99, %while3A_101 : i32
      %while3A_103 = arith.addi %while3A_101, %while3A_102 : i32
      %while3A_104 = arith.constant 1 : i32
      %while3A_105 = arith.divsi %while3A_102, %while3A_104 : i32
      %while3A_106 = arith.muli %while3A_105, %while3A_104 : i32
      %while3A_107 = arith.addi %while3A_101, %while3A_106 : i32
      %while3A_108 = arith.constant 1 : i32
      scf.for %while3A_110 = %while3A_101 to %while3A_107 step %while3A_108  : i32 {
        %mul3A_111 = arith.constant 4 : i32
        %mul3A_112 = arith.muli %mul3A_111, %while3A_110 : i32
        %add3A_113 = arith.constant 0 : i32
        %add3A_114 = arith.addi %mul3A_112, %add3A_113 : i32
        %dma_wait3A = arith.constant 0 : i32
        %dma_wait3A_115 = tpu.memref_slice %arg6[%add3A_114, %dma_wait3A] : memref<32x64xi32, #tpu.memory_space<vmem>> -> memref<1x64xi32, #tpu.memory_space<vmem>>
        %dma_wait3A_116 = tpu.memref_squeeze %dma_wait3A_115 : memref<1x64xi32, #tpu.memory_space<vmem>> -> memref<64xi32, #tpu.memory_space<vmem>>
        %dma_wait3A_117 = arith.constant 0 : i32
        %dma_wait3A_118 = arith.constant 0 : i32
        %dma_wait3A_119 = tpu.memref_slice %arg2[%dma_wait3A_117, %dma_wait3A_118] : memref<10000x128xf32, #tpu.memory_space<hbm>> -> memref<10000x128xf32, #tpu.memory_space<hbm>>
        tpu.wait_indirect_dma semaphore(%arg13 : memref<!tpu.dma_semaphore, #tpu.memory_space<semaphore_mem>>) src(%dma_wait3A_119 : memref<10000x128xf32, #tpu.memory_space<hbm>>) dst(%arg8 : memref<64x128xf32, #tpu.memory_space<vmem>>)
        "tpu.region"() ({
          %run_scoped3A_171 = tpu.sem_alloc : memref<!tpu.dma_semaphore, #tpu.memory_space<semaphore_mem>>
          %dma_start3A_172 = arith.constant 0 : i32
          %dma_start3A_173 = tpu.memref_slice %arg7[%add3A_114, %dma_start3A_172] : memref<32x64xi32, #tpu.memory_space<vmem>> -> memref<1x64xi32, #tpu.memory_space<vmem>>
          %dma_start3A_174 = tpu.memref_squeeze %dma_start3A_173 : memref<1x64xi32, #tpu.memory_space<vmem>> -> memref<64xi32, #tpu.memory_space<vmem>>
          %dma_start3A_175 = arith.constant 0 : i32
          %dma_start3A_176 = arith.constant 0 : i32
          %dma_start3A_177 = tpu.memref_slice %arg12[%dma_start3A_175, %dma_start3A_176] : memref<10240x128xf32, #tpu.memory_space<vmem_shared>> -> memref<10240x128xf32, #tpu.memory_space<vmem_shared>>
          tpu.enqueue_indirect_dma source(%arg8 : memref<64x128xf32, #tpu.memory_space<vmem>>) target(%dma_start3A_177 : memref<10240x128xf32, #tpu.memory_space<vmem_shared>>) offsets(%dma_start3A_174 : memref<64xi32, #tpu.memory_space<vmem>>) semaphore(%run_scoped3A_171 : memref<!tpu.dma_semaphore, #tpu.memory_space<semaphore_mem>>) {add = true}
          %dma_wait3A_178 = arith.constant 0 : i32
          %dma_wait3A_179 = tpu.memref_slice %arg7[%add3A_114, %dma_wait3A_178] : memref<32x64xi32, #tpu.memory_space<vmem>> -> memref<1x64xi32, #tpu.memory_space<vmem>>
          %dma_wait3A_180 = tpu.memref_squeeze %dma_wait3A_179 : memref<1x64xi32, #tpu.memory_space<vmem>> -> memref<64xi32, #tpu.memory_space<vmem>>
          %dma_wait3A_181 = arith.constant 0 : i32
          %dma_wait3A_182 = arith.constant 0 : i32
          %dma_wait3A_183 = tpu.memref_slice %arg12[%dma_wait3A_181, %dma_wait3A_182] : memref<10240x128xf32, #tpu.memory_space<vmem_shared>> -> memref<10240x128xf32, #tpu.memory_space<vmem_shared>>
          tpu.wait_indirect_dma semaphore(%run_scoped3A_171 : memref<!tpu.dma_semaphore, #tpu.memory_space<semaphore_mem>>) src(%arg8 : memref<64x128xf32, #tpu.memory_space<vmem>>) dst(%dma_wait3A_183 : memref<10240x128xf32, #tpu.memory_space<vmem_shared>>)
          tpu.yield
        }) : () -> ()
        %add3A_120 = arith.constant 4 : i32
        %add3A_121 = arith.addi %add3A_114, %add3A_120 : i32
        %lt3A = arith.cmpi slt, %add3A_121, %min3A_48 : i32
        %convert_element_type3A = arith.extui %lt3A : i1 to i32
        %cond3A = arith.constant 0 : i32
        %cond3A_122 = arith.cmpi ne, %convert_element_type3A, %cond3A : i32
        scf.if %cond3A_122 {
          %add3A_171 = arith.constant 4 : i32
          %add3A_172 = arith.addi %add3A_114, %add3A_171 : i32
          %dma_start3A_173 = arith.constant 0 : i32
          %dma_start3A_174 = tpu.memref_slice %arg6[%add3A_172, %dma_start3A_173] : memref<32x64xi32, #tpu.memory_space<vmem>> -> memref<1x64xi32, #tpu.memory_space<vmem>>
          %dma_start3A_175 = tpu.memref_squeeze %dma_start3A_174 : memref<1x64xi32, #tpu.memory_space<vmem>> -> memref<64xi32, #tpu.memory_space<vmem>>
          %dma_start3A_176 = arith.constant 0 : i32
          %dma_start3A_177 = arith.constant 0 : i32
          %dma_start3A_178 = tpu.memref_slice %arg2[%dma_start3A_176, %dma_start3A_177] : memref<10000x128xf32, #tpu.memory_space<hbm>> -> memref<10000x128xf32, #tpu.memory_space<hbm>>
          tpu.enqueue_indirect_dma source(%dma_start3A_178 : memref<10000x128xf32, #tpu.memory_space<hbm>>) target(%arg8 : memref<64x128xf32, #tpu.memory_space<vmem>>) offsets(%dma_start3A_175 : memref<64xi32, #tpu.memory_space<vmem>>) semaphore(%arg13 : memref<!tpu.dma_semaphore, #tpu.memory_space<semaphore_mem>>)
        } else {
        }
        %mul3A_123 = arith.constant 4 : i32
        %mul3A_124 = arith.muli %mul3A_123, %while3A_110 : i32
        %add3A_125 = arith.constant 1 : i32
        %add3A_126 = arith.addi %mul3A_124, %add3A_125 : i32
        %dma_wait3A_127 = arith.constant 0 : i32
        %dma_wait3A_128 = tpu.memref_slice %arg6[%add3A_126, %dma_wait3A_127] : memref<32x64xi32, #tpu.memory_space<vmem>> -> memref<1x64xi32, #tpu.memory_space<vmem>>
        %dma_wait3A_129 = tpu.memref_squeeze %dma_wait3A_128 : memref<1x64xi32, #tpu.memory_space<vmem>> -> memref<64xi32, #tpu.memory_space<vmem>>
        %dma_wait3A_130 = arith.constant 0 : i32
        %dma_wait3A_131 = arith.constant 0 : i32
        %dma_wait3A_132 = tpu.memref_slice %arg2[%dma_wait3A_130, %dma_wait3A_131] : memref<10000x128xf32, #tpu.memory_space<hbm>> -> memref<10000x128xf32, #tpu.memory_space<hbm>>
        tpu.wait_indirect_dma semaphore(%arg14 : memref<!tpu.dma_semaphore, #tpu.memory_space<semaphore_mem>>) src(%dma_wait3A_132 : memref<10000x128xf32, #tpu.memory_space<hbm>>) dst(%arg9 : memref<64x128xf32, #tpu.memory_space<vmem>>)
        "tpu.region"() ({
          %run_scoped3A_171 = tpu.sem_alloc : memref<!tpu.dma_semaphore, #tpu.memory_space<semaphore_mem>>
          %dma_start3A_172 = arith.constant 0 : i32
          %dma_start3A_173 = tpu.memref_slice %arg7[%add3A_126, %dma_start3A_172] : memref<32x64xi32, #tpu.memory_space<vmem>> -> memref<1x64xi32, #tpu.memory_space<vmem>>
          %dma_start3A_174 = tpu.memref_squeeze %dma_start3A_173 : memref<1x64xi32, #tpu.memory_space<vmem>> -> memref<64xi32, #tpu.memory_space<vmem>>
          %dma_start3A_175 = arith.constant 0 : i32
          %dma_start3A_176 = arith.constant 0 : i32
          %dma_start3A_177 = tpu.memref_slice %arg12[%dma_start3A_175, %dma_start3A_176] : memref<10240x128xf32, #tpu.memory_space<vmem_shared>> -> memref<10240x128xf32, #tpu.memory_space<vmem_shared>>
          tpu.enqueue_indirect_dma source(%arg9 : memref<64x128xf32, #tpu.memory_space<vmem>>) target(%dma_start3A_177 : memref<10240x128xf32, #tpu.memory_space<vmem_shared>>) offsets(%dma_start3A_174 : memref<64xi32, #tpu.memory_space<vmem>>) semaphore(%run_scoped3A_171 : memref<!tpu.dma_semaphore, #tpu.memory_space<semaphore_mem>>) {add = true}
          %dma_wait3A_178 = arith.constant 0 : i32
          %dma_wait3A_179 = tpu.memref_slice %arg7[%add3A_126, %dma_wait3A_178] : memref<32x64xi32, #tpu.memory_space<vmem>> -> memref<1x64xi32, #tpu.memory_space<vmem>>
          %dma_wait3A_180 = tpu.memref_squeeze %dma_wait3A_179 : memref<1x64xi32, #tpu.memory_space<vmem>> -> memref<64xi32, #tpu.memory_space<vmem>>
          %dma_wait3A_181 = arith.constant 0 : i32
          %dma_wait3A_182 = arith.constant 0 : i32
          %dma_wait3A_183 = tpu.memref_slice %arg12[%dma_wait3A_181, %dma_wait3A_182] : memref<10240x128xf32, #tpu.memory_space<vmem_shared>> -> memref<10240x128xf32, #tpu.memory_space<vmem_shared>>
          tpu.wait_indirect_dma semaphore(%run_scoped3A_171 : memref<!tpu.dma_semaphore, #tpu.memory_space<semaphore_mem>>) src(%arg9 : memref<64x128xf32, #tpu.memory_space<vmem>>) dst(%dma_wait3A_183 : memref<10240x128xf32, #tpu.memory_space<vmem_shared>>)
          tpu.yield
        }) : () -> ()
        %add3A_133 = arith.constant 4 : i32
        %add3A_134 = arith.addi %add3A_126, %add3A_133 : i32
        %lt3A_135 = arith.cmpi slt, %add3A_134, %min3A_48 : i32
        %convert_element_type3A_136 = arith.extui %lt3A_135 : i1 to i32
        %cond3A_137 = arith.constant 0 : i32
        %cond3A_138 = arith.cmpi ne, %convert_element_type3A_136, %cond3A_137 : i32
        scf.if %cond3A_138 {
          %add3A_171 = arith.constant 4 : i32
          %add3A_172 = arith.addi %add3A_126, %add3A_171 : i32
          %dma_start3A_173 = arith.constant 0 : i32
          %dma_start3A_174 = tpu.memref_slice %arg6[%add3A_172, %dma_start3A_173] : memref<32x64xi32, #tpu.memory_space<vmem>> -> memref<1x64xi32, #tpu.memory_space<vmem>>
          %dma_start3A_175 = tpu.memref_squeeze %dma_start3A_174 : memref<1x64xi32, #tpu.memory_space<vmem>> -> memref<64xi32, #tpu.memory_space<vmem>>
          %dma_start3A_176 = arith.constant 0 : i32
          %dma_start3A_177 = arith.constant 0 : i32
          %dma_start3A_178 = tpu.memref_slice %arg2[%dma_start3A_176, %dma_start3A_177] : memref<10000x128xf32, #tpu.memory_space<hbm>> -> memref<10000x128xf32, #tpu.memory_space<hbm>>
          tpu.enqueue_indirect_dma source(%dma_start3A_178 : memref<10000x128xf32, #tpu.memory_space<hbm>>) target(%arg9 : memref<64x128xf32, #tpu.memory_space<vmem>>) offsets(%dma_start3A_175 : memref<64xi32, #tpu.memory_space<vmem>>) semaphore(%arg14 : memref<!tpu.dma_semaphore, #tpu.memory_space<semaphore_mem>>)
        } else {
        }
        %mul3A_139 = arith.constant 4 : i32
        %mul3A_140 = arith.muli %mul3A_139, %while3A_110 : i32
        %add3A_141 = arith.constant 2 : i32
        %add3A_142 = arith.addi %mul3A_140, %add3A_141 : i32
        %dma_wait3A_143 = arith.constant 0 : i32
        %dma_wait3A_144 = tpu.memref_slice %arg6[%add3A_142, %dma_wait3A_143] : memref<32x64xi32, #tpu.memory_space<vmem>> -> memref<1x64xi32, #tpu.memory_space<vmem>>
        %dma_wait3A_145 = tpu.memref_squeeze %dma_wait3A_144 : memref<1x64xi32, #tpu.memory_space<vmem>> -> memref<64xi32, #tpu.memory_space<vmem>>
        %dma_wait3A_146 = arith.constant 0 : i32
        %dma_wait3A_147 = arith.constant 0 : i32
        %dma_wait3A_148 = tpu.memref_slice %arg2[%dma_wait3A_146, %dma_wait3A_147] : memref<10000x128xf32, #tpu.memory_space<hbm>> -> memref<10000x128xf32, #tpu.memory_space<hbm>>
        tpu.wait_indirect_dma semaphore(%arg15 : memref<!tpu.dma_semaphore, #tpu.memory_space<semaphore_mem>>) src(%dma_wait3A_148 : memref<10000x128xf32, #tpu.memory_space<hbm>>) dst(%arg10 : memref<64x128xf32, #tpu.memory_space<vmem>>)
        "tpu.region"() ({
          %run_scoped3A_171 = tpu.sem_alloc : memref<!tpu.dma_semaphore, #tpu.memory_space<semaphore_mem>>
          %dma_start3A_172 = arith.constant 0 : i32
          %dma_start3A_173 = tpu.memref_slice %arg7[%add3A_142, %dma_start3A_172] : memref<32x64xi32, #tpu.memory_space<vmem>> -> memref<1x64xi32, #tpu.memory_space<vmem>>
          %dma_start3A_174 = tpu.memref_squeeze %dma_start3A_173 : memref<1x64xi32, #tpu.memory_space<vmem>> -> memref<64xi32, #tpu.memory_space<vmem>>
          %dma_start3A_175 = arith.constant 0 : i32
          %dma_start3A_176 = arith.constant 0 : i32
          %dma_start3A_177 = tpu.memref_slice %arg12[%dma_start3A_175, %dma_start3A_176] : memref<10240x128xf32, #tpu.memory_space<vmem_shared>> -> memref<10240x128xf32, #tpu.memory_space<vmem_shared>>
          tpu.enqueue_indirect_dma source(%arg10 : memref<64x128xf32, #tpu.memory_space<vmem>>) target(%dma_start3A_177 : memref<10240x128xf32, #tpu.memory_space<vmem_shared>>) offsets(%dma_start3A_174 : memref<64xi32, #tpu.memory_space<vmem>>) semaphore(%run_scoped3A_171 : memref<!tpu.dma_semaphore, #tpu.memory_space<semaphore_mem>>) {add = true}
          %dma_wait3A_178 = arith.constant 0 : i32
          %dma_wait3A_179 = tpu.memref_slice %arg7[%add3A_142, %dma_wait3A_178] : memref<32x64xi32, #tpu.memory_space<vmem>> -> memref<1x64xi32, #tpu.memory_space<vmem>>
          %dma_wait3A_180 = tpu.memref_squeeze %dma_wait3A_179 : memref<1x64xi32, #tpu.memory_space<vmem>> -> memref<64xi32, #tpu.memory_space<vmem>>
          %dma_wait3A_181 = arith.constant 0 : i32
          %dma_wait3A_182 = arith.constant 0 : i32
          %dma_wait3A_183 = tpu.memref_slice %arg12[%dma_wait3A_181, %dma_wait3A_182] : memref<10240x128xf32, #tpu.memory_space<vmem_shared>> -> memref<10240x128xf32, #tpu.memory_space<vmem_shared>>
          tpu.wait_indirect_dma semaphore(%run_scoped3A_171 : memref<!tpu.dma_semaphore, #tpu.memory_space<semaphore_mem>>) src(%arg10 : memref<64x128xf32, #tpu.memory_space<vmem>>) dst(%dma_wait3A_183 : memref<10240x128xf32, #tpu.memory_space<vmem_shared>>)
          tpu.yield
        }) : () -> ()
        %add3A_149 = arith.constant 4 : i32
        %add3A_150 = arith.addi %add3A_142, %add3A_149 : i32
        %lt3A_151 = arith.cmpi slt, %add3A_150, %min3A_48 : i32
        %convert_element_type3A_152 = arith.extui %lt3A_151 : i1 to i32
        %cond3A_153 = arith.constant 0 : i32
        %cond3A_154 = arith.cmpi ne, %convert_element_type3A_152, %cond3A_153 : i32
        scf.if %cond3A_154 {
          %add3A_171 = arith.constant 4 : i32
          %add3A_172 = arith.addi %add3A_142, %add3A_171 : i32
          %dma_start3A_173 = arith.constant 0 : i32
          %dma_start3A_174 = tpu.memref_slice %arg6[%add3A_172, %dma_start3A_173] : memref<32x64xi32, #tpu.memory_space<vmem>> -> memref<1x64xi32, #tpu.memory_space<vmem>>
          %dma_start3A_175 = tpu.memref_squeeze %dma_start3A_174 : memref<1x64xi32, #tpu.memory_space<vmem>> -> memref<64xi32, #tpu.memory_space<vmem>>
          %dma_start3A_176 = arith.constant 0 : i32
          %dma_start3A_177 = arith.constant 0 : i32
          %dma_start3A_178 = tpu.memref_slice %arg2[%dma_start3A_176, %dma_start3A_177] : memref<10000x128xf32, #tpu.memory_space<hbm>> -> memref<10000x128xf32, #tpu.memory_space<hbm>>
          tpu.enqueue_indirect_dma source(%dma_start3A_178 : memref<10000x128xf32, #tpu.memory_space<hbm>>) target(%arg10 : memref<64x128xf32, #tpu.memory_space<vmem>>) offsets(%dma_start3A_175 : memref<64xi32, #tpu.memory_space<vmem>>) semaphore(%arg15 : memref<!tpu.dma_semaphore, #tpu.memory_space<semaphore_mem>>)
        } else {
        }
        %mul3A_155 = arith.constant 4 : i32
        %mul3A_156 = arith.muli %mul3A_155, %while3A_110 : i32
        %add3A_157 = arith.constant 3 : i32
        %add3A_158 = arith.addi %mul3A_156, %add3A_157 : i32
        %dma_wait3A_159 = arith.constant 0 : i32
        %dma_wait3A_160 = tpu.memref_slice %arg6[%add3A_158, %dma_wait3A_159] : memref<32x64xi32, #tpu.memory_space<vmem>> -> memref<1x64xi32, #tpu.memory_space<vmem>>
        %dma_wait3A_161 = tpu.memref_squeeze %dma_wait3A_160 : memref<1x64xi32, #tpu.memory_space<vmem>> -> memref<64xi32, #tpu.memory_space<vmem>>
        %dma_wait3A_162 = arith.constant 0 : i32
        %dma_wait3A_163 = arith.constant 0 : i32
        %dma_wait3A_164 = tpu.memref_slice %arg2[%dma_wait3A_162, %dma_wait3A_163] : memref<10000x128xf32, #tpu.memory_space<hbm>> -> memref<10000x128xf32, #tpu.memory_space<hbm>>
        tpu.wait_indirect_dma semaphore(%arg16 : memref<!tpu.dma_semaphore, #tpu.memory_space<semaphore_mem>>) src(%dma_wait3A_164 : memref<10000x128xf32, #tpu.memory_space<hbm>>) dst(%arg11 : memref<64x128xf32, #tpu.memory_space<vmem>>)
        "tpu.region"() ({
          %run_scoped3A_171 = tpu.sem_alloc : memref<!tpu.dma_semaphore, #tpu.memory_space<semaphore_mem>>
          %dma_start3A_172 = arith.constant 0 : i32
          %dma_start3A_173 = tpu.memref_slice %arg7[%add3A_158, %dma_start3A_172] : memref<32x64xi32, #tpu.memory_space<vmem>> -> memref<1x64xi32, #tpu.memory_space<vmem>>
          %dma_start3A_174 = tpu.memref_squeeze %dma_start3A_173 : memref<1x64xi32, #tpu.memory_space<vmem>> -> memref<64xi32, #tpu.memory_space<vmem>>
          %dma_start3A_175 = arith.constant 0 : i32
          %dma_start3A_176 = arith.constant 0 : i32
          %dma_start3A_177 = tpu.memref_slice %arg12[%dma_start3A_175, %dma_start3A_176] : memref<10240x128xf32, #tpu.memory_space<vmem_shared>> -> memref<10240x128xf32, #tpu.memory_space<vmem_shared>>
          tpu.enqueue_indirect_dma source(%arg11 : memref<64x128xf32, #tpu.memory_space<vmem>>) target(%dma_start3A_177 : memref<10240x128xf32, #tpu.memory_space<vmem_shared>>) offsets(%dma_start3A_174 : memref<64xi32, #tpu.memory_space<vmem>>) semaphore(%run_scoped3A_171 : memref<!tpu.dma_semaphore, #tpu.memory_space<semaphore_mem>>) {add = true}
          %dma_wait3A_178 = arith.constant 0 : i32
          %dma_wait3A_179 = tpu.memref_slice %arg7[%add3A_158, %dma_wait3A_178] : memref<32x64xi32, #tpu.memory_space<vmem>> -> memref<1x64xi32, #tpu.memory_space<vmem>>
          %dma_wait3A_180 = tpu.memref_squeeze %dma_wait3A_179 : memref<1x64xi32, #tpu.memory_space<vmem>> -> memref<64xi32, #tpu.memory_space<vmem>>
          %dma_wait3A_181 = arith.constant 0 : i32
          %dma_wait3A_182 = arith.constant 0 : i32
          %dma_wait3A_183 = tpu.memref_slice %arg12[%dma_wait3A_181, %dma_wait3A_182] : memref<10240x128xf32, #tpu.memory_space<vmem_shared>> -> memref<10240x128xf32, #tpu.memory_space<vmem_shared>>
          tpu.wait_indirect_dma semaphore(%run_scoped3A_171 : memref<!tpu.dma_semaphore, #tpu.memory_space<semaphore_mem>>) src(%arg11 : memref<64x128xf32, #tpu.memory_space<vmem>>) dst(%dma_wait3A_183 : memref<10240x128xf32, #tpu.memory_space<vmem_shared>>)
          tpu.yield
        }) : () -> ()
        %add3A_165 = arith.constant 4 : i32
        %add3A_166 = arith.addi %add3A_158, %add3A_165 : i32
        %lt3A_167 = arith.cmpi slt, %add3A_166, %min3A_48 : i32
        %convert_element_type3A_168 = arith.extui %lt3A_167 : i1 to i32
        %cond3A_169 = arith.constant 0 : i32
        %cond3A_170 = arith.cmpi ne, %convert_element_type3A_168, %cond3A_169 : i32
        scf.if %cond3A_170 {
          %add3A_171 = arith.constant 4 : i32
          %add3A_172 = arith.addi %add3A_158, %add3A_171 : i32
          %dma_start3A_173 = arith.constant 0 : i32
          %dma_start3A_174 = tpu.memref_slice %arg6[%add3A_172, %dma_start3A_173] : memref<32x64xi32, #tpu.memory_space<vmem>> -> memref<1x64xi32, #tpu.memory_space<vmem>>
          %dma_start3A_175 = tpu.memref_squeeze %dma_start3A_174 : memref<1x64xi32, #tpu.memory_space<vmem>> -> memref<64xi32, #tpu.memory_space<vmem>>
          %dma_start3A_176 = arith.constant 0 : i32
          %dma_start3A_177 = arith.constant 0 : i32
          %dma_start3A_178 = tpu.memref_slice %arg2[%dma_start3A_176, %dma_start3A_177] : memref<10000x128xf32, #tpu.memory_space<hbm>> -> memref<10000x128xf32, #tpu.memory_space<hbm>>
          tpu.enqueue_indirect_dma source(%dma_start3A_178 : memref<10000x128xf32, #tpu.memory_space<hbm>>) target(%arg11 : memref<64x128xf32, #tpu.memory_space<vmem>>) offsets(%dma_start3A_175 : memref<64xi32, #tpu.memory_space<vmem>>) semaphore(%arg16 : memref<!tpu.dma_semaphore, #tpu.memory_space<semaphore_mem>>)
        } else {
        }
      }
      %while3A_109 = arith.constant 1 : i32
      scf.for %while3A_110 = %while3A_107 to %while3A_103 step %while3A_109  : i32 {
        %mul3A_111 = arith.constant 4 : i32
        %mul3A_112 = arith.muli %mul3A_111, %while3A_110 : i32
        %add3A_113 = arith.constant 0 : i32
        %add3A_114 = arith.addi %mul3A_112, %add3A_113 : i32
        %dma_wait3A = arith.constant 0 : i32
        %dma_wait3A_115 = tpu.memref_slice %arg6[%add3A_114, %dma_wait3A] : memref<32x64xi32, #tpu.memory_space<vmem>> -> memref<1x64xi32, #tpu.memory_space<vmem>>
        %dma_wait3A_116 = tpu.memref_squeeze %dma_wait3A_115 : memref<1x64xi32, #tpu.memory_space<vmem>> -> memref<64xi32, #tpu.memory_space<vmem>>
        %dma_wait3A_117 = arith.constant 0 : i32
        %dma_wait3A_118 = arith.constant 0 : i32
        %dma_wait3A_119 = tpu.memref_slice %arg2[%dma_wait3A_117, %dma_wait3A_118] : memref<10000x128xf32, #tpu.memory_space<hbm>> -> memref<10000x128xf32, #tpu.memory_space<hbm>>
        tpu.wait_indirect_dma semaphore(%arg13 : memref<!tpu.dma_semaphore, #tpu.memory_space<semaphore_mem>>) src(%dma_wait3A_119 : memref<10000x128xf32, #tpu.memory_space<hbm>>) dst(%arg8 : memref<64x128xf32, #tpu.memory_space<vmem>>)
        "tpu.region"() ({
          %run_scoped3A_171 = tpu.sem_alloc : memref<!tpu.dma_semaphore, #tpu.memory_space<semaphore_mem>>
          %dma_start3A_172 = arith.constant 0 : i32
          %dma_start3A_173 = tpu.memref_slice %arg7[%add3A_114, %dma_start3A_172] : memref<32x64xi32, #tpu.memory_space<vmem>> -> memref<1x64xi32, #tpu.memory_space<vmem>>
          %dma_start3A_174 = tpu.memref_squeeze %dma_start3A_173 : memref<1x64xi32, #tpu.memory_space<vmem>> -> memref<64xi32, #tpu.memory_space<vmem>>
          %dma_start3A_175 = arith.constant 0 : i32
          %dma_start3A_176 = arith.constant 0 : i32
          %dma_start3A_177 = tpu.memref_slice %arg12[%dma_start3A_175, %dma_start3A_176] : memref<10240x128xf32, #tpu.memory_space<vmem_shared>> -> memref<10240x128xf32, #tpu.memory_space<vmem_shared>>
          tpu.enqueue_indirect_dma source(%arg8 : memref<64x128xf32, #tpu.memory_space<vmem>>) target(%dma_start3A_177 : memref<10240x128xf32, #tpu.memory_space<vmem_shared>>) offsets(%dma_start3A_174 : memref<64xi32, #tpu.memory_space<vmem>>) semaphore(%run_scoped3A_171 : memref<!tpu.dma_semaphore, #tpu.memory_space<semaphore_mem>>) {add = true}
          %dma_wait3A_178 = arith.constant 0 : i32
          %dma_wait3A_179 = tpu.memref_slice %arg7[%add3A_114, %dma_wait3A_178] : memref<32x64xi32, #tpu.memory_space<vmem>> -> memref<1x64xi32, #tpu.memory_space<vmem>>
          %dma_wait3A_180 = tpu.memref_squeeze %dma_wait3A_179 : memref<1x64xi32, #tpu.memory_space<vmem>> -> memref<64xi32, #tpu.memory_space<vmem>>
          %dma_wait3A_181 = arith.constant 0 : i32
          %dma_wait3A_182 = arith.constant 0 : i32
          %dma_wait3A_183 = tpu.memref_slice %arg12[%dma_wait3A_181, %dma_wait3A_182] : memref<10240x128xf32, #tpu.memory_space<vmem_shared>> -> memref<10240x128xf32, #tpu.memory_space<vmem_shared>>
          tpu.wait_indirect_dma semaphore(%run_scoped3A_171 : memref<!tpu.dma_semaphore, #tpu.memory_space<semaphore_mem>>) src(%arg8 : memref<64x128xf32, #tpu.memory_space<vmem>>) dst(%dma_wait3A_183 : memref<10240x128xf32, #tpu.memory_space<vmem_shared>>)
          tpu.yield
        }) : () -> ()
        %add3A_120 = arith.constant 4 : i32
        %add3A_121 = arith.addi %add3A_114, %add3A_120 : i32
        %lt3A = arith.cmpi slt, %add3A_121, %min3A_48 : i32
        %convert_element_type3A = arith.extui %lt3A : i1 to i32
        %cond3A = arith.constant 0 : i32
        %cond3A_122 = arith.cmpi ne, %convert_element_type3A, %cond3A : i32
        scf.if %cond3A_122 {
          %add3A_171 = arith.constant 4 : i32
          %add3A_172 = arith.addi %add3A_114, %add3A_171 : i32
          %dma_start3A_173 = arith.constant 0 : i32
          %dma_start3A_174 = tpu.memref_slice %arg6[%add3A_172, %dma_start3A_173] : memref<32x64xi32, #tpu.memory_space<vmem>> -> memref<1x64xi32, #tpu.memory_space<vmem>>
          %dma_start3A_175 = tpu.memref_squeeze %dma_start3A_174 : memref<1x64xi32, #tpu.memory_space<vmem>> -> memref<64xi32, #tpu.memory_space<vmem>>
          %dma_start3A_176 = arith.constant 0 : i32
          %dma_start3A_177 = arith.constant 0 : i32
          %dma_start3A_178 = tpu.memref_slice %arg2[%dma_start3A_176, %dma_start3A_177] : memref<10000x128xf32, #tpu.memory_space<hbm>> -> memref<10000x128xf32, #tpu.memory_space<hbm>>
          tpu.enqueue_indirect_dma source(%dma_start3A_178 : memref<10000x128xf32, #tpu.memory_space<hbm>>) target(%arg8 : memref<64x128xf32, #tpu.memory_space<vmem>>) offsets(%dma_start3A_175 : memref<64xi32, #tpu.memory_space<vmem>>) semaphore(%arg13 : memref<!tpu.dma_semaphore, #tpu.memory_space<semaphore_mem>>)
        } else {
        }
        %mul3A_123 = arith.constant 4 : i32
        %mul3A_124 = arith.muli %mul3A_123, %while3A_110 : i32
        %add3A_125 = arith.constant 1 : i32
        %add3A_126 = arith.addi %mul3A_124, %add3A_125 : i32
        %dma_wait3A_127 = arith.constant 0 : i32
        %dma_wait3A_128 = tpu.memref_slice %arg6[%add3A_126, %dma_wait3A_127] : memref<32x64xi32, #tpu.memory_space<vmem>> -> memref<1x64xi32, #tpu.memory_space<vmem>>
        %dma_wait3A_129 = tpu.memref_squeeze %dma_wait3A_128 : memref<1x64xi32, #tpu.memory_space<vmem>> -> memref<64xi32, #tpu.memory_space<vmem>>
        %dma_wait3A_130 = arith.constant 0 : i32
        %dma_wait3A_131 = arith.constant 0 : i32
        %dma_wait3A_132 = tpu.memref_slice %arg2[%dma_wait3A_130, %dma_wait3A_131] : memref<10000x128xf32, #tpu.memory_space<hbm>> -> memref<10000x128xf32, #tpu.memory_space<hbm>>
        tpu.wait_indirect_dma semaphore(%arg14 : memref<!tpu.dma_semaphore, #tpu.memory_space<semaphore_mem>>) src(%dma_wait3A_132 : memref<10000x128xf32, #tpu.memory_space<hbm>>) dst(%arg9 : memref<64x128xf32, #tpu.memory_space<vmem>>)
        "tpu.region"() ({
          %run_scoped3A_171 = tpu.sem_alloc : memref<!tpu.dma_semaphore, #tpu.memory_space<semaphore_mem>>
          %dma_start3A_172 = arith.constant 0 : i32
          %dma_start3A_173 = tpu.memref_slice %arg7[%add3A_126, %dma_start3A_172] : memref<32x64xi32, #tpu.memory_space<vmem>> -> memref<1x64xi32, #tpu.memory_space<vmem>>
          %dma_start3A_174 = tpu.memref_squeeze %dma_start3A_173 : memref<1x64xi32, #tpu.memory_space<vmem>> -> memref<64xi32, #tpu.memory_space<vmem>>
          %dma_start3A_175 = arith.constant 0 : i32
          %dma_start3A_176 = arith.constant 0 : i32
          %dma_start3A_177 = tpu.memref_slice %arg12[%dma_start3A_175, %dma_start3A_176] : memref<10240x128xf32, #tpu.memory_space<vmem_shared>> -> memref<10240x128xf32, #tpu.memory_space<vmem_shared>>
          tpu.enqueue_indirect_dma source(%arg9 : memref<64x128xf32, #tpu.memory_space<vmem>>) target(%dma_start3A_177 : memref<10240x128xf32, #tpu.memory_space<vmem_shared>>) offsets(%dma_start3A_174 : memref<64xi32, #tpu.memory_space<vmem>>) semaphore(%run_scoped3A_171 : memref<!tpu.dma_semaphore, #tpu.memory_space<semaphore_mem>>) {add = true}
          %dma_wait3A_178 = arith.constant 0 : i32
          %dma_wait3A_179 = tpu.memref_slice %arg7[%add3A_126, %dma_wait3A_178] : memref<32x64xi32, #tpu.memory_space<vmem>> -> memref<1x64xi32, #tpu.memory_space<vmem>>
          %dma_wait3A_180 = tpu.memref_squeeze %dma_wait3A_179 : memref<1x64xi32, #tpu.memory_space<vmem>> -> memref<64xi32, #tpu.memory_space<vmem>>
          %dma_wait3A_181 = arith.constant 0 : i32
          %dma_wait3A_182 = arith.constant 0 : i32
          %dma_wait3A_183 = tpu.memref_slice %arg12[%dma_wait3A_181, %dma_wait3A_182] : memref<10240x128xf32, #tpu.memory_space<vmem_shared>> -> memref<10240x128xf32, #tpu.memory_space<vmem_shared>>
          tpu.wait_indirect_dma semaphore(%run_scoped3A_171 : memref<!tpu.dma_semaphore, #tpu.memory_space<semaphore_mem>>) src(%arg9 : memref<64x128xf32, #tpu.memory_space<vmem>>) dst(%dma_wait3A_183 : memref<10240x128xf32, #tpu.memory_space<vmem_shared>>)
          tpu.yield
        }) : () -> ()
        %add3A_133 = arith.constant 4 : i32
        %add3A_134 = arith.addi %add3A_126, %add3A_133 : i32
        %lt3A_135 = arith.cmpi slt, %add3A_134, %min3A_48 : i32
        %convert_element_type3A_136 = arith.extui %lt3A_135 : i1 to i32
        %cond3A_137 = arith.constant 0 : i32
        %cond3A_138 = arith.cmpi ne, %convert_element_type3A_136, %cond3A_137 : i32
        scf.if %cond3A_138 {
          %add3A_171 = arith.constant 4 : i32
          %add3A_172 = arith.addi %add3A_126, %add3A_171 : i32
          %dma_start3A_173 = arith.constant 0 : i32
          %dma_start3A_174 = tpu.memref_slice %arg6[%add3A_172, %dma_start3A_173] : memref<32x64xi32, #tpu.memory_space<vmem>> -> memref<1x64xi32, #tpu.memory_space<vmem>>
          %dma_start3A_175 = tpu.memref_squeeze %dma_start3A_174 : memref<1x64xi32, #tpu.memory_space<vmem>> -> memref<64xi32, #tpu.memory_space<vmem>>
          %dma_start3A_176 = arith.constant 0 : i32
          %dma_start3A_177 = arith.constant 0 : i32
          %dma_start3A_178 = tpu.memref_slice %arg2[%dma_start3A_176, %dma_start3A_177] : memref<10000x128xf32, #tpu.memory_space<hbm>> -> memref<10000x128xf32, #tpu.memory_space<hbm>>
          tpu.enqueue_indirect_dma source(%dma_start3A_178 : memref<10000x128xf32, #tpu.memory_space<hbm>>) target(%arg9 : memref<64x128xf32, #tpu.memory_space<vmem>>) offsets(%dma_start3A_175 : memref<64xi32, #tpu.memory_space<vmem>>) semaphore(%arg14 : memref<!tpu.dma_semaphore, #tpu.memory_space<semaphore_mem>>)
        } else {
        }
        %mul3A_139 = arith.constant 4 : i32
        %mul3A_140 = arith.muli %mul3A_139, %while3A_110 : i32
        %add3A_141 = arith.constant 2 : i32
        %add3A_142 = arith.addi %mul3A_140, %add3A_141 : i32
        %dma_wait3A_143 = arith.constant 0 : i32
        %dma_wait3A_144 = tpu.memref_slice %arg6[%add3A_142, %dma_wait3A_143] : memref<32x64xi32, #tpu.memory_space<vmem>> -> memref<1x64xi32, #tpu.memory_space<vmem>>
        %dma_wait3A_145 = tpu.memref_squeeze %dma_wait3A_144 : memref<1x64xi32, #tpu.memory_space<vmem>> -> memref<64xi32, #tpu.memory_space<vmem>>
        %dma_wait3A_146 = arith.constant 0 : i32
        %dma_wait3A_147 = arith.constant 0 : i32
        %dma_wait3A_148 = tpu.memref_slice %arg2[%dma_wait3A_146, %dma_wait3A_147] : memref<10000x128xf32, #tpu.memory_space<hbm>> -> memref<10000x128xf32, #tpu.memory_space<hbm>>
        tpu.wait_indirect_dma semaphore(%arg15 : memref<!tpu.dma_semaphore, #tpu.memory_space<semaphore_mem>>) src(%dma_wait3A_148 : memref<10000x128xf32, #tpu.memory_space<hbm>>) dst(%arg10 : memref<64x128xf32, #tpu.memory_space<vmem>>)
        "tpu.region"() ({
          %run_scoped3A_171 = tpu.sem_alloc : memref<!tpu.dma_semaphore, #tpu.memory_space<semaphore_mem>>
          %dma_start3A_172 = arith.constant 0 : i32
          %dma_start3A_173 = tpu.memref_slice %arg7[%add3A_142, %dma_start3A_172] : memref<32x64xi32, #tpu.memory_space<vmem>> -> memref<1x64xi32, #tpu.memory_space<vmem>>
          %dma_start3A_174 = tpu.memref_squeeze %dma_start3A_173 : memref<1x64xi32, #tpu.memory_space<vmem>> -> memref<64xi32, #tpu.memory_space<vmem>>
          %dma_start3A_175 = arith.constant 0 : i32
          %dma_start3A_176 = arith.constant 0 : i32
          %dma_start3A_177 = tpu.memref_slice %arg12[%dma_start3A_175, %dma_start3A_176] : memref<10240x128xf32, #tpu.memory_space<vmem_shared>> -> memref<10240x128xf32, #tpu.memory_space<vmem_shared>>
          tpu.enqueue_indirect_dma source(%arg10 : memref<64x128xf32, #tpu.memory_space<vmem>>) target(%dma_start3A_177 : memref<10240x128xf32, #tpu.memory_space<vmem_shared>>) offsets(%dma_start3A_174 : memref<64xi32, #tpu.memory_space<vmem>>) semaphore(%run_scoped3A_171 : memref<!tpu.dma_semaphore, #tpu.memory_space<semaphore_mem>>) {add = true}
          %dma_wait3A_178 = arith.constant 0 : i32
          %dma_wait3A_179 = tpu.memref_slice %arg7[%add3A_142, %dma_wait3A_178] : memref<32x64xi32, #tpu.memory_space<vmem>> -> memref<1x64xi32, #tpu.memory_space<vmem>>
          %dma_wait3A_180 = tpu.memref_squeeze %dma_wait3A_179 : memref<1x64xi32, #tpu.memory_space<vmem>> -> memref<64xi32, #tpu.memory_space<vmem>>
          %dma_wait3A_181 = arith.constant 0 : i32
          %dma_wait3A_182 = arith.constant 0 : i32
          %dma_wait3A_183 = tpu.memref_slice %arg12[%dma_wait3A_181, %dma_wait3A_182] : memref<10240x128xf32, #tpu.memory_space<vmem_shared>> -> memref<10240x128xf32, #tpu.memory_space<vmem_shared>>
          tpu.wait_indirect_dma semaphore(%run_scoped3A_171 : memref<!tpu.dma_semaphore, #tpu.memory_space<semaphore_mem>>) src(%arg10 : memref<64x128xf32, #tpu.memory_space<vmem>>) dst(%dma_wait3A_183 : memref<10240x128xf32, #tpu.memory_space<vmem_shared>>)
          tpu.yield
        }) : () -> ()
        %add3A_149 = arith.constant 4 : i32
        %add3A_150 = arith.addi %add3A_142, %add3A_149 : i32
        %lt3A_151 = arith.cmpi slt, %add3A_150, %min3A_48 : i32
        %convert_element_type3A_152 = arith.extui %lt3A_151 : i1 to i32
        %cond3A_153 = arith.constant 0 : i32
        %cond3A_154 = arith.cmpi ne, %convert_element_type3A_152, %cond3A_153 : i32
        scf.if %cond3A_154 {
          %add3A_171 = arith.constant 4 : i32
          %add3A_172 = arith.addi %add3A_142, %add3A_171 : i32
          %dma_start3A_173 = arith.constant 0 : i32
          %dma_start3A_174 = tpu.memref_slice %arg6[%add3A_172, %dma_start3A_173] : memref<32x64xi32, #tpu.memory_space<vmem>> -> memref<1x64xi32, #tpu.memory_space<vmem>>
          %dma_start3A_175 = tpu.memref_squeeze %dma_start3A_174 : memref<1x64xi32, #tpu.memory_space<vmem>> -> memref<64xi32, #tpu.memory_space<vmem>>
          %dma_start3A_176 = arith.constant 0 : i32
          %dma_start3A_177 = arith.constant 0 : i32
          %dma_start3A_178 = tpu.memref_slice %arg2[%dma_start3A_176, %dma_start3A_177] : memref<10000x128xf32, #tpu.memory_space<hbm>> -> memref<10000x128xf32, #tpu.memory_space<hbm>>
          tpu.enqueue_indirect_dma source(%dma_start3A_178 : memref<10000x128xf32, #tpu.memory_space<hbm>>) target(%arg10 : memref<64x128xf32, #tpu.memory_space<vmem>>) offsets(%dma_start3A_175 : memref<64xi32, #tpu.memory_space<vmem>>) semaphore(%arg15 : memref<!tpu.dma_semaphore, #tpu.memory_space<semaphore_mem>>)
        } else {
        }
        %mul3A_155 = arith.constant 4 : i32
        %mul3A_156 = arith.muli %mul3A_155, %while3A_110 : i32
        %add3A_157 = arith.constant 3 : i32
        %add3A_158 = arith.addi %mul3A_156, %add3A_157 : i32
        %dma_wait3A_159 = arith.constant 0 : i32
        %dma_wait3A_160 = tpu.memref_slice %arg6[%add3A_158, %dma_wait3A_159] : memref<32x64xi32, #tpu.memory_space<vmem>> -> memref<1x64xi32, #tpu.memory_space<vmem>>
        %dma_wait3A_161 = tpu.memref_squeeze %dma_wait3A_160 : memref<1x64xi32, #tpu.memory_space<vmem>> -> memref<64xi32, #tpu.memory_space<vmem>>
        %dma_wait3A_162 = arith.constant 0 : i32
        %dma_wait3A_163 = arith.constant 0 : i32
        %dma_wait3A_164 = tpu.memref_slice %arg2[%dma_wait3A_162, %dma_wait3A_163] : memref<10000x128xf32, #tpu.memory_space<hbm>> -> memref<10000x128xf32, #tpu.memory_space<hbm>>
        tpu.wait_indirect_dma semaphore(%arg16 : memref<!tpu.dma_semaphore, #tpu.memory_space<semaphore_mem>>) src(%dma_wait3A_164 : memref<10000x128xf32, #tpu.memory_space<hbm>>) dst(%arg11 : memref<64x128xf32, #tpu.memory_space<vmem>>)
        "tpu.region"() ({
          %run_scoped3A_171 = tpu.sem_alloc : memref<!tpu.dma_semaphore, #tpu.memory_space<semaphore_mem>>
          %dma_start3A_172 = arith.constant 0 : i32
          %dma_start3A_173 = tpu.memref_slice %arg7[%add3A_158, %dma_start3A_172] : memref<32x64xi32, #tpu.memory_space<vmem>> -> memref<1x64xi32, #tpu.memory_space<vmem>>
          %dma_start3A_174 = tpu.memref_squeeze %dma_start3A_173 : memref<1x64xi32, #tpu.memory_space<vmem>> -> memref<64xi32, #tpu.memory_space<vmem>>
          %dma_start3A_175 = arith.constant 0 : i32
          %dma_start3A_176 = arith.constant 0 : i32
          %dma_start3A_177 = tpu.memref_slice %arg12[%dma_start3A_175, %dma_start3A_176] : memref<10240x128xf32, #tpu.memory_space<vmem_shared>> -> memref<10240x128xf32, #tpu.memory_space<vmem_shared>>
          tpu.enqueue_indirect_dma source(%arg11 : memref<64x128xf32, #tpu.memory_space<vmem>>) target(%dma_start3A_177 : memref<10240x128xf32, #tpu.memory_space<vmem_shared>>) offsets(%dma_start3A_174 : memref<64xi32, #tpu.memory_space<vmem>>) semaphore(%run_scoped3A_171 : memref<!tpu.dma_semaphore, #tpu.memory_space<semaphore_mem>>) {add = true}
          %dma_wait3A_178 = arith.constant 0 : i32
          %dma_wait3A_179 = tpu.memref_slice %arg7[%add3A_158, %dma_wait3A_178] : memref<32x64xi32, #tpu.memory_space<vmem>> -> memref<1x64xi32, #tpu.memory_space<vmem>>
          %dma_wait3A_180 = tpu.memref_squeeze %dma_wait3A_179 : memref<1x64xi32, #tpu.memory_space<vmem>> -> memref<64xi32, #tpu.memory_space<vmem>>
          %dma_wait3A_181 = arith.constant 0 : i32
          %dma_wait3A_182 = arith.constant 0 : i32
          %dma_wait3A_183 = tpu.memref_slice %arg12[%dma_wait3A_181, %dma_wait3A_182] : memref<10240x128xf32, #tpu.memory_space<vmem_shared>> -> memref<10240x128xf32, #tpu.memory_space<vmem_shared>>
          tpu.wait_indirect_dma semaphore(%run_scoped3A_171 : memref<!tpu.dma_semaphore, #tpu.memory_space<semaphore_mem>>) src(%arg11 : memref<64x128xf32, #tpu.memory_space<vmem>>) dst(%dma_wait3A_183 : memref<10240x128xf32, #tpu.memory_space<vmem_shared>>)
          tpu.yield
        }) : () -> ()
        %add3A_165 = arith.constant 4 : i32
        %add3A_166 = arith.addi %add3A_158, %add3A_165 : i32
        %lt3A_167 = arith.cmpi slt, %add3A_166, %min3A_48 : i32
        %convert_element_type3A_168 = arith.extui %lt3A_167 : i1 to i32
        %cond3A_169 = arith.constant 0 : i32
        %cond3A_170 = arith.cmpi ne, %convert_element_type3A_168, %cond3A_169 : i32
        scf.if %cond3A_170 {
          %add3A_171 = arith.constant 4 : i32
          %add3A_172 = arith.addi %add3A_158, %add3A_171 : i32
          %dma_start3A_173 = arith.constant 0 : i32
          %dma_start3A_174 = tpu.memref_slice %arg6[%add3A_172, %dma_start3A_173] : memref<32x64xi32, #tpu.memory_space<vmem>> -> memref<1x64xi32, #tpu.memory_space<vmem>>
          %dma_start3A_175 = tpu.memref_squeeze %dma_start3A_174 : memref<1x64xi32, #tpu.memory_space<vmem>> -> memref<64xi32, #tpu.memory_space<vmem>>
          %dma_start3A_176 = arith.constant 0 : i32
          %dma_start3A_177 = arith.constant 0 : i32
          %dma_start3A_178 = tpu.memref_slice %arg2[%dma_start3A_176, %dma_start3A_177] : memref<10000x128xf32, #tpu.memory_space<hbm>> -> memref<10000x128xf32, #tpu.memory_space<hbm>>
          tpu.enqueue_indirect_dma source(%dma_start3A_178 : memref<10000x128xf32, #tpu.memory_space<hbm>>) target(%arg11 : memref<64x128xf32, #tpu.memory_space<vmem>>) offsets(%dma_start3A_175 : memref<64xi32, #tpu.memory_space<vmem>>) semaphore(%arg16 : memref<!tpu.dma_semaphore, #tpu.memory_space<semaphore_mem>>)
        } else {
        }
      }
    }
    %while3A_35 = arith.constant 1 : i32
    scf.for %while3A_39 = %while3A_33 to %while3A_29 step %while3A_35  : i32 {
      %mul3A_40 = arith.constant 32 : i32
      %mul3A_41 = arith.muli %while3A_39, %mul3A_40 : i32
      %run_scoped3A = arith.constant 0 : i32
      "tpu.region"() ({
        %run_scoped3A_110 = tpu.sem_alloc : memref<!tpu.dma_semaphore, #tpu.memory_space<semaphore_mem>>
        %dma_start3A_111 = arith.constant 0 : i32
        %dma_start3A_112 = tpu.memref_slice %arg3[%run_scoped3A, %add3A, %mul3A_41, %dma_start3A_111] : memref<2x32x160x64xi32, #tpu.memory_space<hbm>> -> memref<1x1x32x64xi32, #tpu.memory_space<hbm>>
        %dma_start3A_113 = tpu.memref_squeeze %dma_start3A_112 : memref<1x1x32x64xi32, #tpu.memory_space<hbm>> -> memref<32x64xi32, #tpu.memory_space<hbm>>
        %dma_start3A_114 = arith.constant 0 : i32
        %dma_start3A_115 = tpu.memref_slice %arg3[%run_scoped3A, %add3A, %mul3A_41, %dma_start3A_114] : memref<2x32x160x64xi32, #tpu.memory_space<hbm>> -> memref<1x1x32x64xi32, #tpu.memory_space<hbm>>
        %dma_start3A_116 = tpu.memref_squeeze %dma_start3A_115 : memref<1x1x32x64xi32, #tpu.memory_space<hbm>> -> memref<32x64xi32, #tpu.memory_space<hbm>>
        tpu.enqueue_dma source(%dma_start3A_116 : memref<32x64xi32, #tpu.memory_space<hbm>>) target(%arg6 : memref<32x64xi32, #tpu.memory_space<vmem>>) target_semaphore(%run_scoped3A_110 : memref<!tpu.dma_semaphore, #tpu.memory_space<semaphore_mem>>)
        %dma_wait3A = arith.constant 0 : i32
        %dma_wait3A_117 = tpu.memref_slice %arg3[%run_scoped3A, %add3A, %mul3A_41, %dma_wait3A] : memref<2x32x160x64xi32, #tpu.memory_space<hbm>> -> memref<1x1x32x64xi32, #tpu.memory_space<hbm>>
        %dma_wait3A_118 = tpu.memref_squeeze %dma_wait3A_117 : memref<1x1x32x64xi32, #tpu.memory_space<hbm>> -> memref<32x64xi32, #tpu.memory_space<hbm>>
        %dma_wait3A_119 = arith.constant 0 : i32
        %dma_wait3A_120 = tpu.memref_slice %arg3[%run_scoped3A, %add3A, %mul3A_41, %dma_wait3A_119] : memref<2x32x160x64xi32, #tpu.memory_space<hbm>> -> memref<1x1x32x64xi32, #tpu.memory_space<hbm>>
        %dma_wait3A_121 = tpu.memref_squeeze %dma_wait3A_120 : memref<1x1x32x64xi32, #tpu.memory_space<hbm>> -> memref<32x64xi32, #tpu.memory_space<hbm>>
        tpu.wait_dma2 semaphore(%run_scoped3A_110 : memref<!tpu.dma_semaphore, #tpu.memory_space<semaphore_mem>>) src(%dma_wait3A_121 : memref<32x64xi32, #tpu.memory_space<hbm>>) dst(%arg6 : memref<32x64xi32, #tpu.memory_space<vmem>>)
        tpu.yield
      }) : () -> ()
      %mul3A_42 = arith.constant 32 : i32
      %mul3A_43 = arith.muli %while3A_39, %mul3A_42 : i32
      %run_scoped3A_44 = arith.constant 1 : i32
      "tpu.region"() ({
        %run_scoped3A_110 = tpu.sem_alloc : memref<!tpu.dma_semaphore, #tpu.memory_space<semaphore_mem>>
        %dma_start3A_111 = arith.constant 0 : i32
        %dma_start3A_112 = tpu.memref_slice %arg3[%run_scoped3A_44, %add3A, %mul3A_43, %dma_start3A_111] : memref<2x32x160x64xi32, #tpu.memory_space<hbm>> -> memref<1x1x32x64xi32, #tpu.memory_space<hbm>>
        %dma_start3A_113 = tpu.memref_squeeze %dma_start3A_112 : memref<1x1x32x64xi32, #tpu.memory_space<hbm>> -> memref<32x64xi32, #tpu.memory_space<hbm>>
        %dma_start3A_114 = arith.constant 0 : i32
        %dma_start3A_115 = tpu.memref_slice %arg3[%run_scoped3A_44, %add3A, %mul3A_43, %dma_start3A_114] : memref<2x32x160x64xi32, #tpu.memory_space<hbm>> -> memref<1x1x32x64xi32, #tpu.memory_space<hbm>>
        %dma_start3A_116 = tpu.memref_squeeze %dma_start3A_115 : memref<1x1x32x64xi32, #tpu.memory_space<hbm>> -> memref<32x64xi32, #tpu.memory_space<hbm>>
        tpu.enqueue_dma source(%dma_start3A_116 : memref<32x64xi32, #tpu.memory_space<hbm>>) target(%arg7 : memref<32x64xi32, #tpu.memory_space<vmem>>) target_semaphore(%run_scoped3A_110 : memref<!tpu.dma_semaphore, #tpu.memory_space<semaphore_mem>>)
        %dma_wait3A = arith.constant 0 : i32
        %dma_wait3A_117 = tpu.memref_slice %arg3[%run_scoped3A_44, %add3A, %mul3A_43, %dma_wait3A] : memref<2x32x160x64xi32, #tpu.memory_space<hbm>> -> memref<1x1x32x64xi32, #tpu.memory_space<hbm>>
        %dma_wait3A_118 = tpu.memref_squeeze %dma_wait3A_117 : memref<1x1x32x64xi32, #tpu.memory_space<hbm>> -> memref<32x64xi32, #tpu.memory_space<hbm>>
        %dma_wait3A_119 = arith.constant 0 : i32
        %dma_wait3A_120 = tpu.memref_slice %arg3[%run_scoped3A_44, %add3A, %mul3A_43, %dma_wait3A_119] : memref<2x32x160x64xi32, #tpu.memory_space<hbm>> -> memref<1x1x32x64xi32, #tpu.memory_space<hbm>>
        %dma_wait3A_121 = tpu.memref_squeeze %dma_wait3A_120 : memref<1x1x32x64xi32, #tpu.memory_space<hbm>> -> memref<32x64xi32, #tpu.memory_space<hbm>>
        tpu.wait_dma2 semaphore(%run_scoped3A_110 : memref<!tpu.dma_semaphore, #tpu.memory_space<semaphore_mem>>) src(%dma_wait3A_121 : memref<32x64xi32, #tpu.memory_space<hbm>>) dst(%arg7 : memref<32x64xi32, #tpu.memory_space<vmem>>)
        tpu.yield
      }) : () -> ()
      %mul3A_45 = arith.constant 32 : i32
      %mul3A_46 = arith.muli %while3A_39, %mul3A_45 : i32
      %sub3A_47 = arith.subi %select_n3A, %mul3A_46 : i32
      %min3A = arith.constant 32 : i32
      %min3A_48 = arith.minsi %sub3A_47, %min3A : i32
      %dma_start3A = arith.constant 0 : i32
      %dma_start3A_49 = arith.constant 0 : i32
      %dma_start3A_50 = tpu.memref_slice %arg6[%dma_start3A, %dma_start3A_49] : memref<32x64xi32, #tpu.memory_space<vmem>> -> memref<1x64xi32, #tpu.memory_space<vmem>>
      %dma_start3A_51 = tpu.memref_squeeze %dma_start3A_50 : memref<1x64xi32, #tpu.memory_space<vmem>> -> memref<64xi32, #tpu.memory_space<vmem>>
      %dma_start3A_52 = arith.constant 0 : i32
      %dma_start3A_53 = arith.constant 0 : i32
      %dma_start3A_54 = tpu.memref_slice %arg2[%dma_start3A_52, %dma_start3A_53] : memref<10000x128xf32, #tpu.memory_space<hbm>> -> memref<10000x128xf32, #tpu.memory_space<hbm>>
      tpu.enqueue_indirect_dma source(%dma_start3A_54 : memref<10000x128xf32, #tpu.memory_space<hbm>>) target(%arg8 : memref<64x128xf32, #tpu.memory_space<vmem>>) offsets(%dma_start3A_51 : memref<64xi32, #tpu.memory_space<vmem>>) semaphore(%arg13 : memref<!tpu.dma_semaphore, #tpu.memory_space<semaphore_mem>>)
      %dma_start3A_55 = arith.constant 1 : i32
      %dma_start3A_56 = arith.constant 0 : i32
      %dma_start3A_57 = tpu.memref_slice %arg6[%dma_start3A_55, %dma_start3A_56] : memref<32x64xi32, #tpu.memory_space<vmem>> -> memref<1x64xi32, #tpu.memory_space<vmem>>
      %dma_start3A_58 = tpu.memref_squeeze %dma_start3A_57 : memref<1x64xi32, #tpu.memory_space<vmem>> -> memref<64xi32, #tpu.memory_space<vmem>>
      %dma_start3A_59 = arith.constant 0 : i32
      %dma_start3A_60 = arith.constant 0 : i32
      %dma_start3A_61 = tpu.memref_slice %arg2[%dma_start3A_59, %dma_start3A_60] : memref<10000x128xf32, #tpu.memory_space<hbm>> -> memref<10000x128xf32, #tpu.memory_space<hbm>>
      tpu.enqueue_indirect_dma source(%dma_start3A_61 : memref<10000x128xf32, #tpu.memory_space<hbm>>) target(%arg9 : memref<64x128xf32, #tpu.memory_space<vmem>>) offsets(%dma_start3A_58 : memref<64xi32, #tpu.memory_space<vmem>>) semaphore(%arg14 : memref<!tpu.dma_semaphore, #tpu.memory_space<semaphore_mem>>)
      %dma_start3A_62 = arith.constant 2 : i32
      %dma_start3A_63 = arith.constant 0 : i32
      %dma_start3A_64 = tpu.memref_slice %arg6[%dma_start3A_62, %dma_start3A_63] : memref<32x64xi32, #tpu.memory_space<vmem>> -> memref<1x64xi32, #tpu.memory_space<vmem>>
      %dma_start3A_65 = tpu.memref_squeeze %dma_start3A_64 : memref<1x64xi32, #tpu.memory_space<vmem>> -> memref<64xi32, #tpu.memory_space<vmem>>
      %dma_start3A_66 = arith.constant 0 : i32
      %dma_start3A_67 = arith.constant 0 : i32
      %dma_start3A_68 = tpu.memref_slice %arg2[%dma_start3A_66, %dma_start3A_67] : memref<10000x128xf32, #tpu.memory_space<hbm>> -> memref<10000x128xf32, #tpu.memory_space<hbm>>
      tpu.enqueue_indirect_dma source(%dma_start3A_68 : memref<10000x128xf32, #tpu.memory_space<hbm>>) target(%arg10 : memref<64x128xf32, #tpu.memory_space<vmem>>) offsets(%dma_start3A_65 : memref<64xi32, #tpu.memory_space<vmem>>) semaphore(%arg15 : memref<!tpu.dma_semaphore, #tpu.memory_space<semaphore_mem>>)
      %dma_start3A_69 = arith.constant 3 : i32
      %dma_start3A_70 = arith.constant 0 : i32
      %dma_start3A_71 = tpu.memref_slice %arg6[%dma_start3A_69, %dma_start3A_70] : memref<32x64xi32, #tpu.memory_space<vmem>> -> memref<1x64xi32, #tpu.memory_space<vmem>>
      %dma_start3A_72 = tpu.memref_squeeze %dma_start3A_71 : memref<1x64xi32, #tpu.memory_space<vmem>> -> memref<64xi32, #tpu.memory_space<vmem>>
      %dma_start3A_73 = arith.constant 0 : i32
      %dma_start3A_74 = arith.constant 0 : i32
      %dma_start3A_75 = tpu.memref_slice %arg2[%dma_start3A_73, %dma_start3A_74] : memref<10000x128xf32, #tpu.memory_space<hbm>> -> memref<10000x128xf32, #tpu.memory_space<hbm>>
      tpu.enqueue_indirect_dma source(%dma_start3A_75 : memref<10000x128xf32, #tpu.memory_space<hbm>>) target(%arg11 : memref<64x128xf32, #tpu.memory_space<vmem>>) offsets(%dma_start3A_72 : memref<64xi32, #tpu.memory_space<vmem>>) semaphore(%arg16 : memref<!tpu.dma_semaphore, #tpu.memory_space<semaphore_mem>>)
      %jit3A_76 = arith.constant 4 : i32
      %div3A_77 = arith.divsi %min3A_48, %jit3A_76 : i32
      %sign3A_78 = arith.constant 0 : i32
      %sign3A_79 = arith.cmpi sgt, %min3A_48, %sign3A_78 : i32
      %sign3A_80 = arith.extui %sign3A_79 : i1 to i32
      %sign3A_81 = arith.constant 0 : i32
      %sign3A_82 = arith.cmpi slt, %min3A_48, %sign3A_81 : i32
      %sign3A_83 = arith.extui %sign3A_82 : i1 to i32
      %sign3A_84 = arith.subi %sign3A_80, %sign3A_83 : i32
      %sign3A_85 = arith.constant 0 : i32
      %sign3A_86 = arith.cmpi sgt, %jit3A_76, %sign3A_85 : i32
      %sign3A_87 = arith.extui %sign3A_86 : i1 to i32
      %sign3A_88 = arith.constant 0 : i32
      %sign3A_89 = arith.cmpi slt, %jit3A_76, %sign3A_88 : i32
      %sign3A_90 = arith.extui %sign3A_89 : i1 to i32
      %sign3A_91 = arith.subi %sign3A_87, %sign3A_90 : i32
      %ne3A_92 = arith.cmpi ne, %sign3A_84, %sign3A_91 : i32
      %rem3A_93 = arith.remsi %min3A_48, %jit3A_76 : i32
      %ne3A_94 = arith.constant 0 : i32
      %ne3A_95 = arith.cmpi ne, %rem3A_93, %ne3A_94 : i32
      %and3A_96 = arith.andi %ne3A_92, %ne3A_95 : i1
      %sub3A_97 = arith.constant 1 : i32
      %sub3A_98 = arith.subi %div3A_77, %sub3A_97 : i32
      %select_n3A_99 = arith.select %and3A_96, %sub3A_98, %div3A_77 : i32
      %while3A_100 = arith.constant 0 : i32
      %while3A_101 = arith.constant 0 : i32
      %while3A_102 = arith.subi %select_n3A_99, %while3A_101 : i32
      %while3A_103 = arith.addi %while3A_101, %while3A_102 : i32
      %while3A_104 = arith.constant 1 : i32
      %while3A_105 = arith.divsi %while3A_102, %while3A_104 : i32
      %while3A_106 = arith.muli %while3A_105, %while3A_104 : i32
      %while3A_107 = arith.addi %while3A_101, %while3A_106 : i32
      %while3A_108 = arith.constant 1 : i32
      scf.for %while3A_110 = %while3A_101 to %while3A_107 step %while3A_108  : i32 {
        %mul3A_111 = arith.constant 4 : i32
        %mul3A_112 = arith.muli %mul3A_111, %while3A_110 : i32
        %add3A_113 = arith.constant 0 : i32
        %add3A_114 = arith.addi %mul3A_112, %add3A_113 : i32
        %dma_wait3A = arith.constant 0 : i32
        %dma_wait3A_115 = tpu.memref_slice %arg6[%add3A_114, %dma_wait3A] : memref<32x64xi32, #tpu.memory_space<vmem>> -> memref<1x64xi32, #tpu.memory_space<vmem>>
        %dma_wait3A_116 = tpu.memref_squeeze %dma_wait3A_115 : memref<1x64xi32, #tpu.memory_space<vmem>> -> memref<64xi32, #tpu.memory_space<vmem>>
        %dma_wait3A_117 = arith.constant 0 : i32
        %dma_wait3A_118 = arith.constant 0 : i32
        %dma_wait3A_119 = tpu.memref_slice %arg2[%dma_wait3A_117, %dma_wait3A_118] : memref<10000x128xf32, #tpu.memory_space<hbm>> -> memref<10000x128xf32, #tpu.memory_space<hbm>>
        tpu.wait_indirect_dma semaphore(%arg13 : memref<!tpu.dma_semaphore, #tpu.memory_space<semaphore_mem>>) src(%dma_wait3A_119 : memref<10000x128xf32, #tpu.memory_space<hbm>>) dst(%arg8 : memref<64x128xf32, #tpu.memory_space<vmem>>)
        "tpu.region"() ({
          %run_scoped3A_171 = tpu.sem_alloc : memref<!tpu.dma_semaphore, #tpu.memory_space<semaphore_mem>>
          %dma_start3A_172 = arith.constant 0 : i32
          %dma_start3A_173 = tpu.memref_slice %arg7[%add3A_114, %dma_start3A_172] : memref<32x64xi32, #tpu.memory_space<vmem>> -> memref<1x64xi32, #tpu.memory_space<vmem>>
          %dma_start3A_174 = tpu.memref_squeeze %dma_start3A_173 : memref<1x64xi32, #tpu.memory_space<vmem>> -> memref<64xi32, #tpu.memory_space<vmem>>
          %dma_start3A_175 = arith.constant 0 : i32
          %dma_start3A_176 = arith.constant 0 : i32
          %dma_start3A_177 = tpu.memref_slice %arg12[%dma_start3A_175, %dma_start3A_176] : memref<10240x128xf32, #tpu.memory_space<vmem_shared>> -> memref<10240x128xf32, #tpu.memory_space<vmem_shared>>
          tpu.enqueue_indirect_dma source(%arg8 : memref<64x128xf32, #tpu.memory_space<vmem>>) target(%dma_start3A_177 : memref<10240x128xf32, #tpu.memory_space<vmem_shared>>) offsets(%dma_start3A_174 : memref<64xi32, #tpu.memory_space<vmem>>) semaphore(%run_scoped3A_171 : memref<!tpu.dma_semaphore, #tpu.memory_space<semaphore_mem>>) {add = true}
          %dma_wait3A_178 = arith.constant 0 : i32
          %dma_wait3A_179 = tpu.memref_slice %arg7[%add3A_114, %dma_wait3A_178] : memref<32x64xi32, #tpu.memory_space<vmem>> -> memref<1x64xi32, #tpu.memory_space<vmem>>
          %dma_wait3A_180 = tpu.memref_squeeze %dma_wait3A_179 : memref<1x64xi32, #tpu.memory_space<vmem>> -> memref<64xi32, #tpu.memory_space<vmem>>
          %dma_wait3A_181 = arith.constant 0 : i32
          %dma_wait3A_182 = arith.constant 0 : i32
          %dma_wait3A_183 = tpu.memref_slice %arg12[%dma_wait3A_181, %dma_wait3A_182] : memref<10240x128xf32, #tpu.memory_space<vmem_shared>> -> memref<10240x128xf32, #tpu.memory_space<vmem_shared>>
          tpu.wait_indirect_dma semaphore(%run_scoped3A_171 : memref<!tpu.dma_semaphore, #tpu.memory_space<semaphore_mem>>) src(%arg8 : memref<64x128xf32, #tpu.memory_space<vmem>>) dst(%dma_wait3A_183 : memref<10240x128xf32, #tpu.memory_space<vmem_shared>>)
          tpu.yield
        }) : () -> ()
        %add3A_120 = arith.constant 4 : i32
        %add3A_121 = arith.addi %add3A_114, %add3A_120 : i32
        %lt3A = arith.cmpi slt, %add3A_121, %min3A_48 : i32
        %convert_element_type3A = arith.extui %lt3A : i1 to i32
        %cond3A = arith.constant 0 : i32
        %cond3A_122 = arith.cmpi ne, %convert_element_type3A, %cond3A : i32
        scf.if %cond3A_122 {
          %add3A_171 = arith.constant 4 : i32
          %add3A_172 = arith.addi %add3A_114, %add3A_171 : i32
          %dma_start3A_173 = arith.constant 0 : i32
          %dma_start3A_174 = tpu.memref_slice %arg6[%add3A_172, %dma_start3A_173] : memref<32x64xi32, #tpu.memory_space<vmem>> -> memref<1x64xi32, #tpu.memory_space<vmem>>
          %dma_start3A_175 = tpu.memref_squeeze %dma_start3A_174 : memref<1x64xi32, #tpu.memory_space<vmem>> -> memref<64xi32, #tpu.memory_space<vmem>>
          %dma_start3A_176 = arith.constant 0 : i32
          %dma_start3A_177 = arith.constant 0 : i32
          %dma_start3A_178 = tpu.memref_slice %arg2[%dma_start3A_176, %dma_start3A_177] : memref<10000x128xf32, #tpu.memory_space<hbm>> -> memref<10000x128xf32, #tpu.memory_space<hbm>>
          tpu.enqueue_indirect_dma source(%dma_start3A_178 : memref<10000x128xf32, #tpu.memory_space<hbm>>) target(%arg8 : memref<64x128xf32, #tpu.memory_space<vmem>>) offsets(%dma_start3A_175 : memref<64xi32, #tpu.memory_space<vmem>>) semaphore(%arg13 : memref<!tpu.dma_semaphore, #tpu.memory_space<semaphore_mem>>)
        } else {
        }
        %mul3A_123 = arith.constant 4 : i32
        %mul3A_124 = arith.muli %mul3A_123, %while3A_110 : i32
        %add3A_125 = arith.constant 1 : i32
        %add3A_126 = arith.addi %mul3A_124, %add3A_125 : i32
        %dma_wait3A_127 = arith.constant 0 : i32
        %dma_wait3A_128 = tpu.memref_slice %arg6[%add3A_126, %dma_wait3A_127] : memref<32x64xi32, #tpu.memory_space<vmem>> -> memref<1x64xi32, #tpu.memory_space<vmem>>
        %dma_wait3A_129 = tpu.memref_squeeze %dma_wait3A_128 : memref<1x64xi32, #tpu.memory_space<vmem>> -> memref<64xi32, #tpu.memory_space<vmem>>
        %dma_wait3A_130 = arith.constant 0 : i32
        %dma_wait3A_131 = arith.constant 0 : i32
        %dma_wait3A_132 = tpu.memref_slice %arg2[%dma_wait3A_130, %dma_wait3A_131] : memref<10000x128xf32, #tpu.memory_space<hbm>> -> memref<10000x128xf32, #tpu.memory_space<hbm>>
        tpu.wait_indirect_dma semaphore(%arg14 : memref<!tpu.dma_semaphore, #tpu.memory_space<semaphore_mem>>) src(%dma_wait3A_132 : memref<10000x128xf32, #tpu.memory_space<hbm>>) dst(%arg9 : memref<64x128xf32, #tpu.memory_space<vmem>>)
        "tpu.region"() ({
          %run_scoped3A_171 = tpu.sem_alloc : memref<!tpu.dma_semaphore, #tpu.memory_space<semaphore_mem>>
          %dma_start3A_172 = arith.constant 0 : i32
          %dma_start3A_173 = tpu.memref_slice %arg7[%add3A_126, %dma_start3A_172] : memref<32x64xi32, #tpu.memory_space<vmem>> -> memref<1x64xi32, #tpu.memory_space<vmem>>
          %dma_start3A_174 = tpu.memref_squeeze %dma_start3A_173 : memref<1x64xi32, #tpu.memory_space<vmem>> -> memref<64xi32, #tpu.memory_space<vmem>>
          %dma_start3A_175 = arith.constant 0 : i32
          %dma_start3A_176 = arith.constant 0 : i32
          %dma_start3A_177 = tpu.memref_slice %arg12[%dma_start3A_175, %dma_start3A_176] : memref<10240x128xf32, #tpu.memory_space<vmem_shared>> -> memref<10240x128xf32, #tpu.memory_space<vmem_shared>>
          tpu.enqueue_indirect_dma source(%arg9 : memref<64x128xf32, #tpu.memory_space<vmem>>) target(%dma_start3A_177 : memref<10240x128xf32, #tpu.memory_space<vmem_shared>>) offsets(%dma_start3A_174 : memref<64xi32, #tpu.memory_space<vmem>>) semaphore(%run_scoped3A_171 : memref<!tpu.dma_semaphore, #tpu.memory_space<semaphore_mem>>) {add = true}
          %dma_wait3A_178 = arith.constant 0 : i32
          %dma_wait3A_179 = tpu.memref_slice %arg7[%add3A_126, %dma_wait3A_178] : memref<32x64xi32, #tpu.memory_space<vmem>> -> memref<1x64xi32, #tpu.memory_space<vmem>>
          %dma_wait3A_180 = tpu.memref_squeeze %dma_wait3A_179 : memref<1x64xi32, #tpu.memory_space<vmem>> -> memref<64xi32, #tpu.memory_space<vmem>>
          %dma_wait3A_181 = arith.constant 0 : i32
          %dma_wait3A_182 = arith.constant 0 : i32
          %dma_wait3A_183 = tpu.memref_slice %arg12[%dma_wait3A_181, %dma_wait3A_182] : memref<10240x128xf32, #tpu.memory_space<vmem_shared>> -> memref<10240x128xf32, #tpu.memory_space<vmem_shared>>
          tpu.wait_indirect_dma semaphore(%run_scoped3A_171 : memref<!tpu.dma_semaphore, #tpu.memory_space<semaphore_mem>>) src(%arg9 : memref<64x128xf32, #tpu.memory_space<vmem>>) dst(%dma_wait3A_183 : memref<10240x128xf32, #tpu.memory_space<vmem_shared>>)
          tpu.yield
        }) : () -> ()
        %add3A_133 = arith.constant 4 : i32
        %add3A_134 = arith.addi %add3A_126, %add3A_133 : i32
        %lt3A_135 = arith.cmpi slt, %add3A_134, %min3A_48 : i32
        %convert_element_type3A_136 = arith.extui %lt3A_135 : i1 to i32
        %cond3A_137 = arith.constant 0 : i32
        %cond3A_138 = arith.cmpi ne, %convert_element_type3A_136, %cond3A_137 : i32
        scf.if %cond3A_138 {
          %add3A_171 = arith.constant 4 : i32
          %add3A_172 = arith.addi %add3A_126, %add3A_171 : i32
          %dma_start3A_173 = arith.constant 0 : i32
          %dma_start3A_174 = tpu.memref_slice %arg6[%add3A_172, %dma_start3A_173] : memref<32x64xi32, #tpu.memory_space<vmem>> -> memref<1x64xi32, #tpu.memory_space<vmem>>
          %dma_start3A_175 = tpu.memref_squeeze %dma_start3A_174 : memref<1x64xi32, #tpu.memory_space<vmem>> -> memref<64xi32, #tpu.memory_space<vmem>>
          %dma_start3A_176 = arith.constant 0 : i32
          %dma_start3A_177 = arith.constant 0 : i32
          %dma_start3A_178 = tpu.memref_slice %arg2[%dma_start3A_176, %dma_start3A_177] : memref<10000x128xf32, #tpu.memory_space<hbm>> -> memref<10000x128xf32, #tpu.memory_space<hbm>>
          tpu.enqueue_indirect_dma source(%dma_start3A_178 : memref<10000x128xf32, #tpu.memory_space<hbm>>) target(%arg9 : memref<64x128xf32, #tpu.memory_space<vmem>>) offsets(%dma_start3A_175 : memref<64xi32, #tpu.memory_space<vmem>>) semaphore(%arg14 : memref<!tpu.dma_semaphore, #tpu.memory_space<semaphore_mem>>)
        } else {
        }
        %mul3A_139 = arith.constant 4 : i32
        %mul3A_140 = arith.muli %mul3A_139, %while3A_110 : i32
        %add3A_141 = arith.constant 2 : i32
        %add3A_142 = arith.addi %mul3A_140, %add3A_141 : i32
        %dma_wait3A_143 = arith.constant 0 : i32
        %dma_wait3A_144 = tpu.memref_slice %arg6[%add3A_142, %dma_wait3A_143] : memref<32x64xi32, #tpu.memory_space<vmem>> -> memref<1x64xi32, #tpu.memory_space<vmem>>
        %dma_wait3A_145 = tpu.memref_squeeze %dma_wait3A_144 : memref<1x64xi32, #tpu.memory_space<vmem>> -> memref<64xi32, #tpu.memory_space<vmem>>
        %dma_wait3A_146 = arith.constant 0 : i32
        %dma_wait3A_147 = arith.constant 0 : i32
        %dma_wait3A_148 = tpu.memref_slice %arg2[%dma_wait3A_146, %dma_wait3A_147] : memref<10000x128xf32, #tpu.memory_space<hbm>> -> memref<10000x128xf32, #tpu.memory_space<hbm>>
        tpu.wait_indirect_dma semaphore(%arg15 : memref<!tpu.dma_semaphore, #tpu.memory_space<semaphore_mem>>) src(%dma_wait3A_148 : memref<10000x128xf32, #tpu.memory_space<hbm>>) dst(%arg10 : memref<64x128xf32, #tpu.memory_space<vmem>>)
        "tpu.region"() ({
          %run_scoped3A_171 = tpu.sem_alloc : memref<!tpu.dma_semaphore, #tpu.memory_space<semaphore_mem>>
          %dma_start3A_172 = arith.constant 0 : i32
          %dma_start3A_173 = tpu.memref_slice %arg7[%add3A_142, %dma_start3A_172] : memref<32x64xi32, #tpu.memory_space<vmem>> -> memref<1x64xi32, #tpu.memory_space<vmem>>
          %dma_start3A_174 = tpu.memref_squeeze %dma_start3A_173 : memref<1x64xi32, #tpu.memory_space<vmem>> -> memref<64xi32, #tpu.memory_space<vmem>>
          %dma_start3A_175 = arith.constant 0 : i32
          %dma_start3A_176 = arith.constant 0 : i32
          %dma_start3A_177 = tpu.memref_slice %arg12[%dma_start3A_175, %dma_start3A_176] : memref<10240x128xf32, #tpu.memory_space<vmem_shared>> -> memref<10240x128xf32, #tpu.memory_space<vmem_shared>>
          tpu.enqueue_indirect_dma source(%arg10 : memref<64x128xf32, #tpu.memory_space<vmem>>) target(%dma_start3A_177 : memref<10240x128xf32, #tpu.memory_space<vmem_shared>>) offsets(%dma_start3A_174 : memref<64xi32, #tpu.memory_space<vmem>>) semaphore(%run_scoped3A_171 : memref<!tpu.dma_semaphore, #tpu.memory_space<semaphore_mem>>) {add = true}
          %dma_wait3A_178 = arith.constant 0 : i32
          %dma_wait3A_179 = tpu.memref_slice %arg7[%add3A_142, %dma_wait3A_178] : memref<32x64xi32, #tpu.memory_space<vmem>> -> memref<1x64xi32, #tpu.memory_space<vmem>>
          %dma_wait3A_180 = tpu.memref_squeeze %dma_wait3A_179 : memref<1x64xi32, #tpu.memory_space<vmem>> -> memref<64xi32, #tpu.memory_space<vmem>>
          %dma_wait3A_181 = arith.constant 0 : i32
          %dma_wait3A_182 = arith.constant 0 : i32
          %dma_wait3A_183 = tpu.memref_slice %arg12[%dma_wait3A_181, %dma_wait3A_182] : memref<10240x128xf32, #tpu.memory_space<vmem_shared>> -> memref<10240x128xf32, #tpu.memory_space<vmem_shared>>
          tpu.wait_indirect_dma semaphore(%run_scoped3A_171 : memref<!tpu.dma_semaphore, #tpu.memory_space<semaphore_mem>>) src(%arg10 : memref<64x128xf32, #tpu.memory_space<vmem>>) dst(%dma_wait3A_183 : memref<10240x128xf32, #tpu.memory_space<vmem_shared>>)
          tpu.yield
        }) : () -> ()
        %add3A_149 = arith.constant 4 : i32
        %add3A_150 = arith.addi %add3A_142, %add3A_149 : i32
        %lt3A_151 = arith.cmpi slt, %add3A_150, %min3A_48 : i32
        %convert_element_type3A_152 = arith.extui %lt3A_151 : i1 to i32
        %cond3A_153 = arith.constant 0 : i32
        %cond3A_154 = arith.cmpi ne, %convert_element_type3A_152, %cond3A_153 : i32
        scf.if %cond3A_154 {
          %add3A_171 = arith.constant 4 : i32
          %add3A_172 = arith.addi %add3A_142, %add3A_171 : i32
          %dma_start3A_173 = arith.constant 0 : i32
          %dma_start3A_174 = tpu.memref_slice %arg6[%add3A_172, %dma_start3A_173] : memref<32x64xi32, #tpu.memory_space<vmem>> -> memref<1x64xi32, #tpu.memory_space<vmem>>
          %dma_start3A_175 = tpu.memref_squeeze %dma_start3A_174 : memref<1x64xi32, #tpu.memory_space<vmem>> -> memref<64xi32, #tpu.memory_space<vmem>>
          %dma_start3A_176 = arith.constant 0 : i32
          %dma_start3A_177 = arith.constant 0 : i32
          %dma_start3A_178 = tpu.memref_slice %arg2[%dma_start3A_176, %dma_start3A_177] : memref<10000x128xf32, #tpu.memory_space<hbm>> -> memref<10000x128xf32, #tpu.memory_space<hbm>>
          tpu.enqueue_indirect_dma source(%dma_start3A_178 : memref<10000x128xf32, #tpu.memory_space<hbm>>) target(%arg10 : memref<64x128xf32, #tpu.memory_space<vmem>>) offsets(%dma_start3A_175 : memref<64xi32, #tpu.memory_space<vmem>>) semaphore(%arg15 : memref<!tpu.dma_semaphore, #tpu.memory_space<semaphore_mem>>)
        } else {
        }
        %mul3A_155 = arith.constant 4 : i32
        %mul3A_156 = arith.muli %mul3A_155, %while3A_110 : i32
        %add3A_157 = arith.constant 3 : i32
        %add3A_158 = arith.addi %mul3A_156, %add3A_157 : i32
        %dma_wait3A_159 = arith.constant 0 : i32
        %dma_wait3A_160 = tpu.memref_slice %arg6[%add3A_158, %dma_wait3A_159] : memref<32x64xi32, #tpu.memory_space<vmem>> -> memref<1x64xi32, #tpu.memory_space<vmem>>
        %dma_wait3A_161 = tpu.memref_squeeze %dma_wait3A_160 : memref<1x64xi32, #tpu.memory_space<vmem>> -> memref<64xi32, #tpu.memory_space<vmem>>
        %dma_wait3A_162 = arith.constant 0 : i32
        %dma_wait3A_163 = arith.constant 0 : i32
        %dma_wait3A_164 = tpu.memref_slice %arg2[%dma_wait3A_162, %dma_wait3A_163] : memref<10000x128xf32, #tpu.memory_space<hbm>> -> memref<10000x128xf32, #tpu.memory_space<hbm>>
        tpu.wait_indirect_dma semaphore(%arg16 : memref<!tpu.dma_semaphore, #tpu.memory_space<semaphore_mem>>) src(%dma_wait3A_164 : memref<10000x128xf32, #tpu.memory_space<hbm>>) dst(%arg11 : memref<64x128xf32, #tpu.memory_space<vmem>>)
        "tpu.region"() ({
          %run_scoped3A_171 = tpu.sem_alloc : memref<!tpu.dma_semaphore, #tpu.memory_space<semaphore_mem>>
          %dma_start3A_172 = arith.constant 0 : i32
          %dma_start3A_173 = tpu.memref_slice %arg7[%add3A_158, %dma_start3A_172] : memref<32x64xi32, #tpu.memory_space<vmem>> -> memref<1x64xi32, #tpu.memory_space<vmem>>
          %dma_start3A_174 = tpu.memref_squeeze %dma_start3A_173 : memref<1x64xi32, #tpu.memory_space<vmem>> -> memref<64xi32, #tpu.memory_space<vmem>>
          %dma_start3A_175 = arith.constant 0 : i32
          %dma_start3A_176 = arith.constant 0 : i32
          %dma_start3A_177 = tpu.memref_slice %arg12[%dma_start3A_175, %dma_start3A_176] : memref<10240x128xf32, #tpu.memory_space<vmem_shared>> -> memref<10240x128xf32, #tpu.memory_space<vmem_shared>>
          tpu.enqueue_indirect_dma source(%arg11 : memref<64x128xf32, #tpu.memory_space<vmem>>) target(%dma_start3A_177 : memref<10240x128xf32, #tpu.memory_space<vmem_shared>>) offsets(%dma_start3A_174 : memref<64xi32, #tpu.memory_space<vmem>>) semaphore(%run_scoped3A_171 : memref<!tpu.dma_semaphore, #tpu.memory_space<semaphore_mem>>) {add = true}
          %dma_wait3A_178 = arith.constant 0 : i32
          %dma_wait3A_179 = tpu.memref_slice %arg7[%add3A_158, %dma_wait3A_178] : memref<32x64xi32, #tpu.memory_space<vmem>> -> memref<1x64xi32, #tpu.memory_space<vmem>>
          %dma_wait3A_180 = tpu.memref_squeeze %dma_wait3A_179 : memref<1x64xi32, #tpu.memory_space<vmem>> -> memref<64xi32, #tpu.memory_space<vmem>>
          %dma_wait3A_181 = arith.constant 0 : i32
          %dma_wait3A_182 = arith.constant 0 : i32
          %dma_wait3A_183 = tpu.memref_slice %arg12[%dma_wait3A_181, %dma_wait3A_182] : memref<10240x128xf32, #tpu.memory_space<vmem_shared>> -> memref<10240x128xf32, #tpu.memory_space<vmem_shared>>
          tpu.wait_indirect_dma semaphore(%run_scoped3A_171 : memref<!tpu.dma_semaphore, #tpu.memory_space<semaphore_mem>>) src(%arg11 : memref<64x128xf32, #tpu.memory_space<vmem>>) dst(%dma_wait3A_183 : memref<10240x128xf32, #tpu.memory_space<vmem_shared>>)
          tpu.yield
        }) : () -> ()
        %add3A_165 = arith.constant 4 : i32
        %add3A_166 = arith.addi %add3A_158, %add3A_165 : i32
        %lt3A_167 = arith.cmpi slt, %add3A_166, %min3A_48 : i32
        %convert_element_type3A_168 = arith.extui %lt3A_167 : i1 to i32
        %cond3A_169 = arith.constant 0 : i32
        %cond3A_170 = arith.cmpi ne, %convert_element_type3A_168, %cond3A_169 : i32
        scf.if %cond3A_170 {
          %add3A_171 = arith.constant 4 : i32
          %add3A_172 = arith.addi %add3A_158, %add3A_171 : i32
          %dma_start3A_173 = arith.constant 0 : i32
          %dma_start3A_174 = tpu.memref_slice %arg6[%add3A_172, %dma_start3A_173] : memref<32x64xi32, #tpu.memory_space<vmem>> -> memref<1x64xi32, #tpu.memory_space<vmem>>
          %dma_start3A_175 = tpu.memref_squeeze %dma_start3A_174 : memref<1x64xi32, #tpu.memory_space<vmem>> -> memref<64xi32, #tpu.memory_space<vmem>>
          %dma_start3A_176 = arith.constant 0 : i32
          %dma_start3A_177 = arith.constant 0 : i32
          %dma_start3A_178 = tpu.memref_slice %arg2[%dma_start3A_176, %dma_start3A_177] : memref<10000x128xf32, #tpu.memory_space<hbm>> -> memref<10000x128xf32, #tpu.memory_space<hbm>>
          tpu.enqueue_indirect_dma source(%dma_start3A_178 : memref<10000x128xf32, #tpu.memory_space<hbm>>) target(%arg11 : memref<64x128xf32, #tpu.memory_space<vmem>>) offsets(%dma_start3A_175 : memref<64xi32, #tpu.memory_space<vmem>>) semaphore(%arg16 : memref<!tpu.dma_semaphore, #tpu.memory_space<semaphore_mem>>)
        } else {
        }
      }
      %while3A_109 = arith.constant 1 : i32
      scf.for %while3A_110 = %while3A_107 to %while3A_103 step %while3A_109  : i32 {
        %mul3A_111 = arith.constant 4 : i32
        %mul3A_112 = arith.muli %mul3A_111, %while3A_110 : i32
        %add3A_113 = arith.constant 0 : i32
        %add3A_114 = arith.addi %mul3A_112, %add3A_113 : i32
        %dma_wait3A = arith.constant 0 : i32
        %dma_wait3A_115 = tpu.memref_slice %arg6[%add3A_114, %dma_wait3A] : memref<32x64xi32, #tpu.memory_space<vmem>> -> memref<1x64xi32, #tpu.memory_space<vmem>>
        %dma_wait3A_116 = tpu.memref_squeeze %dma_wait3A_115 : memref<1x64xi32, #tpu.memory_space<vmem>> -> memref<64xi32, #tpu.memory_space<vmem>>
        %dma_wait3A_117 = arith.constant 0 : i32
        %dma_wait3A_118 = arith.constant 0 : i32
        %dma_wait3A_119 = tpu.memref_slice %arg2[%dma_wait3A_117, %dma_wait3A_118] : memref<10000x128xf32, #tpu.memory_space<hbm>> -> memref<10000x128xf32, #tpu.memory_space<hbm>>
        tpu.wait_indirect_dma semaphore(%arg13 : memref<!tpu.dma_semaphore, #tpu.memory_space<semaphore_mem>>) src(%dma_wait3A_119 : memref<10000x128xf32, #tpu.memory_space<hbm>>) dst(%arg8 : memref<64x128xf32, #tpu.memory_space<vmem>>)
        "tpu.region"() ({
          %run_scoped3A_171 = tpu.sem_alloc : memref<!tpu.dma_semaphore, #tpu.memory_space<semaphore_mem>>
          %dma_start3A_172 = arith.constant 0 : i32
          %dma_start3A_173 = tpu.memref_slice %arg7[%add3A_114, %dma_start3A_172] : memref<32x64xi32, #tpu.memory_space<vmem>> -> memref<1x64xi32, #tpu.memory_space<vmem>>
          %dma_start3A_174 = tpu.memref_squeeze %dma_start3A_173 : memref<1x64xi32, #tpu.memory_space<vmem>> -> memref<64xi32, #tpu.memory_space<vmem>>
          %dma_start3A_175 = arith.constant 0 : i32
          %dma_start3A_176 = arith.constant 0 : i32
          %dma_start3A_177 = tpu.memref_slice %arg12[%dma_start3A_175, %dma_start3A_176] : memref<10240x128xf32, #tpu.memory_space<vmem_shared>> -> memref<10240x128xf32, #tpu.memory_space<vmem_shared>>
          tpu.enqueue_indirect_dma source(%arg8 : memref<64x128xf32, #tpu.memory_space<vmem>>) target(%dma_start3A_177 : memref<10240x128xf32, #tpu.memory_space<vmem_shared>>) offsets(%dma_start3A_174 : memref<64xi32, #tpu.memory_space<vmem>>) semaphore(%run_scoped3A_171 : memref<!tpu.dma_semaphore, #tpu.memory_space<semaphore_mem>>) {add = true}
          %dma_wait3A_178 = arith.constant 0 : i32
          %dma_wait3A_179 = tpu.memref_slice %arg7[%add3A_114, %dma_wait3A_178] : memref<32x64xi32, #tpu.memory_space<vmem>> -> memref<1x64xi32, #tpu.memory_space<vmem>>
          %dma_wait3A_180 = tpu.memref_squeeze %dma_wait3A_179 : memref<1x64xi32, #tpu.memory_space<vmem>> -> memref<64xi32, #tpu.memory_space<vmem>>
          %dma_wait3A_181 = arith.constant 0 : i32
          %dma_wait3A_182 = arith.constant 0 : i32
          %dma_wait3A_183 = tpu.memref_slice %arg12[%dma_wait3A_181, %dma_wait3A_182] : memref<10240x128xf32, #tpu.memory_space<vmem_shared>> -> memref<10240x128xf32, #tpu.memory_space<vmem_shared>>
          tpu.wait_indirect_dma semaphore(%run_scoped3A_171 : memref<!tpu.dma_semaphore, #tpu.memory_space<semaphore_mem>>) src(%arg8 : memref<64x128xf32, #tpu.memory_space<vmem>>) dst(%dma_wait3A_183 : memref<10240x128xf32, #tpu.memory_space<vmem_shared>>)
          tpu.yield
        }) : () -> ()
        %add3A_120 = arith.constant 4 : i32
        %add3A_121 = arith.addi %add3A_114, %add3A_120 : i32
        %lt3A = arith.cmpi slt, %add3A_121, %min3A_48 : i32
        %convert_element_type3A = arith.extui %lt3A : i1 to i32
        %cond3A = arith.constant 0 : i32
        %cond3A_122 = arith.cmpi ne, %convert_element_type3A, %cond3A : i32
        scf.if %cond3A_122 {
          %add3A_171 = arith.constant 4 : i32
          %add3A_172 = arith.addi %add3A_114, %add3A_171 : i32
          %dma_start3A_173 = arith.constant 0 : i32
          %dma_start3A_174 = tpu.memref_slice %arg6[%add3A_172, %dma_start3A_173] : memref<32x64xi32, #tpu.memory_space<vmem>> -> memref<1x64xi32, #tpu.memory_space<vmem>>
          %dma_start3A_175 = tpu.memref_squeeze %dma_start3A_174 : memref<1x64xi32, #tpu.memory_space<vmem>> -> memref<64xi32, #tpu.memory_space<vmem>>
          %dma_start3A_176 = arith.constant 0 : i32
          %dma_start3A_177 = arith.constant 0 : i32
          %dma_start3A_178 = tpu.memref_slice %arg2[%dma_start3A_176, %dma_start3A_177] : memref<10000x128xf32, #tpu.memory_space<hbm>> -> memref<10000x128xf32, #tpu.memory_space<hbm>>
          tpu.enqueue_indirect_dma source(%dma_start3A_178 : memref<10000x128xf32, #tpu.memory_space<hbm>>) target(%arg8 : memref<64x128xf32, #tpu.memory_space<vmem>>) offsets(%dma_start3A_175 : memref<64xi32, #tpu.memory_space<vmem>>) semaphore(%arg13 : memref<!tpu.dma_semaphore, #tpu.memory_space<semaphore_mem>>)
        } else {
        }
        %mul3A_123 = arith.constant 4 : i32
        %mul3A_124 = arith.muli %mul3A_123, %while3A_110 : i32
        %add3A_125 = arith.constant 1 : i32
        %add3A_126 = arith.addi %mul3A_124, %add3A_125 : i32
        %dma_wait3A_127 = arith.constant 0 : i32
        %dma_wait3A_128 = tpu.memref_slice %arg6[%add3A_126, %dma_wait3A_127] : memref<32x64xi32, #tpu.memory_space<vmem>> -> memref<1x64xi32, #tpu.memory_space<vmem>>
        %dma_wait3A_129 = tpu.memref_squeeze %dma_wait3A_128 : memref<1x64xi32, #tpu.memory_space<vmem>> -> memref<64xi32, #tpu.memory_space<vmem>>
        %dma_wait3A_130 = arith.constant 0 : i32
        %dma_wait3A_131 = arith.constant 0 : i32
        %dma_wait3A_132 = tpu.memref_slice %arg2[%dma_wait3A_130, %dma_wait3A_131] : memref<10000x128xf32, #tpu.memory_space<hbm>> -> memref<10000x128xf32, #tpu.memory_space<hbm>>
        tpu.wait_indirect_dma semaphore(%arg14 : memref<!tpu.dma_semaphore, #tpu.memory_space<semaphore_mem>>) src(%dma_wait3A_132 : memref<10000x128xf32, #tpu.memory_space<hbm>>) dst(%arg9 : memref<64x128xf32, #tpu.memory_space<vmem>>)
        "tpu.region"() ({
          %run_scoped3A_171 = tpu.sem_alloc : memref<!tpu.dma_semaphore, #tpu.memory_space<semaphore_mem>>
          %dma_start3A_172 = arith.constant 0 : i32
          %dma_start3A_173 = tpu.memref_slice %arg7[%add3A_126, %dma_start3A_172] : memref<32x64xi32, #tpu.memory_space<vmem>> -> memref<1x64xi32, #tpu.memory_space<vmem>>
          %dma_start3A_174 = tpu.memref_squeeze %dma_start3A_173 : memref<1x64xi32, #tpu.memory_space<vmem>> -> memref<64xi32, #tpu.memory_space<vmem>>
          %dma_start3A_175 = arith.constant 0 : i32
          %dma_start3A_176 = arith.constant 0 : i32
          %dma_start3A_177 = tpu.memref_slice %arg12[%dma_start3A_175, %dma_start3A_176] : memref<10240x128xf32, #tpu.memory_space<vmem_shared>> -> memref<10240x128xf32, #tpu.memory_space<vmem_shared>>
          tpu.enqueue_indirect_dma source(%arg9 : memref<64x128xf32, #tpu.memory_space<vmem>>) target(%dma_start3A_177 : memref<10240x128xf32, #tpu.memory_space<vmem_shared>>) offsets(%dma_start3A_174 : memref<64xi32, #tpu.memory_space<vmem>>) semaphore(%run_scoped3A_171 : memref<!tpu.dma_semaphore, #tpu.memory_space<semaphore_mem>>) {add = true}
          %dma_wait3A_178 = arith.constant 0 : i32
          %dma_wait3A_179 = tpu.memref_slice %arg7[%add3A_126, %dma_wait3A_178] : memref<32x64xi32, #tpu.memory_space<vmem>> -> memref<1x64xi32, #tpu.memory_space<vmem>>
          %dma_wait3A_180 = tpu.memref_squeeze %dma_wait3A_179 : memref<1x64xi32, #tpu.memory_space<vmem>> -> memref<64xi32, #tpu.memory_space<vmem>>
          %dma_wait3A_181 = arith.constant 0 : i32
          %dma_wait3A_182 = arith.constant 0 : i32
          %dma_wait3A_183 = tpu.memref_slice %arg12[%dma_wait3A_181, %dma_wait3A_182] : memref<10240x128xf32, #tpu.memory_space<vmem_shared>> -> memref<10240x128xf32, #tpu.memory_space<vmem_shared>>
          tpu.wait_indirect_dma semaphore(%run_scoped3A_171 : memref<!tpu.dma_semaphore, #tpu.memory_space<semaphore_mem>>) src(%arg9 : memref<64x128xf32, #tpu.memory_space<vmem>>) dst(%dma_wait3A_183 : memref<10240x128xf32, #tpu.memory_space<vmem_shared>>)
          tpu.yield
        }) : () -> ()
        %add3A_133 = arith.constant 4 : i32
        %add3A_134 = arith.addi %add3A_126, %add3A_133 : i32
        %lt3A_135 = arith.cmpi slt, %add3A_134, %min3A_48 : i32
        %convert_element_type3A_136 = arith.extui %lt3A_135 : i1 to i32
        %cond3A_137 = arith.constant 0 : i32
        %cond3A_138 = arith.cmpi ne, %convert_element_type3A_136, %cond3A_137 : i32
        scf.if %cond3A_138 {
          %add3A_171 = arith.constant 4 : i32
          %add3A_172 = arith.addi %add3A_126, %add3A_171 : i32
          %dma_start3A_173 = arith.constant 0 : i32
          %dma_start3A_174 = tpu.memref_slice %arg6[%add3A_172, %dma_start3A_173] : memref<32x64xi32, #tpu.memory_space<vmem>> -> memref<1x64xi32, #tpu.memory_space<vmem>>
          %dma_start3A_175 = tpu.memref_squeeze %dma_start3A_174 : memref<1x64xi32, #tpu.memory_space<vmem>> -> memref<64xi32, #tpu.memory_space<vmem>>
          %dma_start3A_176 = arith.constant 0 : i32
          %dma_start3A_177 = arith.constant 0 : i32
          %dma_start3A_178 = tpu.memref_slice %arg2[%dma_start3A_176, %dma_start3A_177] : memref<10000x128xf32, #tpu.memory_space<hbm>> -> memref<10000x128xf32, #tpu.memory_space<hbm>>
          tpu.enqueue_indirect_dma source(%dma_start3A_178 : memref<10000x128xf32, #tpu.memory_space<hbm>>) target(%arg9 : memref<64x128xf32, #tpu.memory_space<vmem>>) offsets(%dma_start3A_175 : memref<64xi32, #tpu.memory_space<vmem>>) semaphore(%arg14 : memref<!tpu.dma_semaphore, #tpu.memory_space<semaphore_mem>>)
        } else {
        }
        %mul3A_139 = arith.constant 4 : i32
        %mul3A_140 = arith.muli %mul3A_139, %while3A_110 : i32
        %add3A_141 = arith.constant 2 : i32
        %add3A_142 = arith.addi %mul3A_140, %add3A_141 : i32
        %dma_wait3A_143 = arith.constant 0 : i32
        %dma_wait3A_144 = tpu.memref_slice %arg6[%add3A_142, %dma_wait3A_143] : memref<32x64xi32, #tpu.memory_space<vmem>> -> memref<1x64xi32, #tpu.memory_space<vmem>>
        %dma_wait3A_145 = tpu.memref_squeeze %dma_wait3A_144 : memref<1x64xi32, #tpu.memory_space<vmem>> -> memref<64xi32, #tpu.memory_space<vmem>>
        %dma_wait3A_146 = arith.constant 0 : i32
        %dma_wait3A_147 = arith.constant 0 : i32
        %dma_wait3A_148 = tpu.memref_slice %arg2[%dma_wait3A_146, %dma_wait3A_147] : memref<10000x128xf32, #tpu.memory_space<hbm>> -> memref<10000x128xf32, #tpu.memory_space<hbm>>
        tpu.wait_indirect_dma semaphore(%arg15 : memref<!tpu.dma_semaphore, #tpu.memory_space<semaphore_mem>>) src(%dma_wait3A_148 : memref<10000x128xf32, #tpu.memory_space<hbm>>) dst(%arg10 : memref<64x128xf32, #tpu.memory_space<vmem>>)
        "tpu.region"() ({
          %run_scoped3A_171 = tpu.sem_alloc : memref<!tpu.dma_semaphore, #tpu.memory_space<semaphore_mem>>
          %dma_start3A_172 = arith.constant 0 : i32
          %dma_start3A_173 = tpu.memref_slice %arg7[%add3A_142, %dma_start3A_172] : memref<32x64xi32, #tpu.memory_space<vmem>> -> memref<1x64xi32, #tpu.memory_space<vmem>>
          %dma_start3A_174 = tpu.memref_squeeze %dma_start3A_173 : memref<1x64xi32, #tpu.memory_space<vmem>> -> memref<64xi32, #tpu.memory_space<vmem>>
          %dma_start3A_175 = arith.constant 0 : i32
          %dma_start3A_176 = arith.constant 0 : i32
          %dma_start3A_177 = tpu.memref_slice %arg12[%dma_start3A_175, %dma_start3A_176] : memref<10240x128xf32, #tpu.memory_space<vmem_shared>> -> memref<10240x128xf32, #tpu.memory_space<vmem_shared>>
          tpu.enqueue_indirect_dma source(%arg10 : memref<64x128xf32, #tpu.memory_space<vmem>>) target(%dma_start3A_177 : memref<10240x128xf32, #tpu.memory_space<vmem_shared>>) offsets(%dma_start3A_174 : memref<64xi32, #tpu.memory_space<vmem>>) semaphore(%run_scoped3A_171 : memref<!tpu.dma_semaphore, #tpu.memory_space<semaphore_mem>>) {add = true}
          %dma_wait3A_178 = arith.constant 0 : i32
          %dma_wait3A_179 = tpu.memref_slice %arg7[%add3A_142, %dma_wait3A_178] : memref<32x64xi32, #tpu.memory_space<vmem>> -> memref<1x64xi32, #tpu.memory_space<vmem>>
          %dma_wait3A_180 = tpu.memref_squeeze %dma_wait3A_179 : memref<1x64xi32, #tpu.memory_space<vmem>> -> memref<64xi32, #tpu.memory_space<vmem>>
          %dma_wait3A_181 = arith.constant 0 : i32
          %dma_wait3A_182 = arith.constant 0 : i32
          %dma_wait3A_183 = tpu.memref_slice %arg12[%dma_wait3A_181, %dma_wait3A_182] : memref<10240x128xf32, #tpu.memory_space<vmem_shared>> -> memref<10240x128xf32, #tpu.memory_space<vmem_shared>>
          tpu.wait_indirect_dma semaphore(%run_scoped3A_171 : memref<!tpu.dma_semaphore, #tpu.memory_space<semaphore_mem>>) src(%arg10 : memref<64x128xf32, #tpu.memory_space<vmem>>) dst(%dma_wait3A_183 : memref<10240x128xf32, #tpu.memory_space<vmem_shared>>)
          tpu.yield
        }) : () -> ()
        %add3A_149 = arith.constant 4 : i32
        %add3A_150 = arith.addi %add3A_142, %add3A_149 : i32
        %lt3A_151 = arith.cmpi slt, %add3A_150, %min3A_48 : i32
        %convert_element_type3A_152 = arith.extui %lt3A_151 : i1 to i32
        %cond3A_153 = arith.constant 0 : i32
        %cond3A_154 = arith.cmpi ne, %convert_element_type3A_152, %cond3A_153 : i32
        scf.if %cond3A_154 {
          %add3A_171 = arith.constant 4 : i32
          %add3A_172 = arith.addi %add3A_142, %add3A_171 : i32
          %dma_start3A_173 = arith.constant 0 : i32
          %dma_start3A_174 = tpu.memref_slice %arg6[%add3A_172, %dma_start3A_173] : memref<32x64xi32, #tpu.memory_space<vmem>> -> memref<1x64xi32, #tpu.memory_space<vmem>>
          %dma_start3A_175 = tpu.memref_squeeze %dma_start3A_174 : memref<1x64xi32, #tpu.memory_space<vmem>> -> memref<64xi32, #tpu.memory_space<vmem>>
          %dma_start3A_176 = arith.constant 0 : i32
          %dma_start3A_177 = arith.constant 0 : i32
          %dma_start3A_178 = tpu.memref_slice %arg2[%dma_start3A_176, %dma_start3A_177] : memref<10000x128xf32, #tpu.memory_space<hbm>> -> memref<10000x128xf32, #tpu.memory_space<hbm>>
          tpu.enqueue_indirect_dma source(%dma_start3A_178 : memref<10000x128xf32, #tpu.memory_space<hbm>>) target(%arg10 : memref<64x128xf32, #tpu.memory_space<vmem>>) offsets(%dma_start3A_175 : memref<64xi32, #tpu.memory_space<vmem>>) semaphore(%arg15 : memref<!tpu.dma_semaphore, #tpu.memory_space<semaphore_mem>>)
        } else {
        }
        %mul3A_155 = arith.constant 4 : i32
        %mul3A_156 = arith.muli %mul3A_155, %while3A_110 : i32
        %add3A_157 = arith.constant 3 : i32
        %add3A_158 = arith.addi %mul3A_156, %add3A_157 : i32
        %dma_wait3A_159 = arith.constant 0 : i32
        %dma_wait3A_160 = tpu.memref_slice %arg6[%add3A_158, %dma_wait3A_159] : memref<32x64xi32, #tpu.memory_space<vmem>> -> memref<1x64xi32, #tpu.memory_space<vmem>>
        %dma_wait3A_161 = tpu.memref_squeeze %dma_wait3A_160 : memref<1x64xi32, #tpu.memory_space<vmem>> -> memref<64xi32, #tpu.memory_space<vmem>>
        %dma_wait3A_162 = arith.constant 0 : i32
        %dma_wait3A_163 = arith.constant 0 : i32
        %dma_wait3A_164 = tpu.memref_slice %arg2[%dma_wait3A_162, %dma_wait3A_163] : memref<10000x128xf32, #tpu.memory_space<hbm>> -> memref<10000x128xf32, #tpu.memory_space<hbm>>
        tpu.wait_indirect_dma semaphore(%arg16 : memref<!tpu.dma_semaphore, #tpu.memory_space<semaphore_mem>>) src(%dma_wait3A_164 : memref<10000x128xf32, #tpu.memory_space<hbm>>) dst(%arg11 : memref<64x128xf32, #tpu.memory_space<vmem>>)
        "tpu.region"() ({
          %run_scoped3A_171 = tpu.sem_alloc : memref<!tpu.dma_semaphore, #tpu.memory_space<semaphore_mem>>
          %dma_start3A_172 = arith.constant 0 : i32
          %dma_start3A_173 = tpu.memref_slice %arg7[%add3A_158, %dma_start3A_172] : memref<32x64xi32, #tpu.memory_space<vmem>> -> memref<1x64xi32, #tpu.memory_space<vmem>>
          %dma_start3A_174 = tpu.memref_squeeze %dma_start3A_173 : memref<1x64xi32, #tpu.memory_space<vmem>> -> memref<64xi32, #tpu.memory_space<vmem>>
          %dma_start3A_175 = arith.constant 0 : i32
          %dma_start3A_176 = arith.constant 0 : i32
          %dma_start3A_177 = tpu.memref_slice %arg12[%dma_start3A_175, %dma_start3A_176] : memref<10240x128xf32, #tpu.memory_space<vmem_shared>> -> memref<10240x128xf32, #tpu.memory_space<vmem_shared>>
          tpu.enqueue_indirect_dma source(%arg11 : memref<64x128xf32, #tpu.memory_space<vmem>>) target(%dma_start3A_177 : memref<10240x128xf32, #tpu.memory_space<vmem_shared>>) offsets(%dma_start3A_174 : memref<64xi32, #tpu.memory_space<vmem>>) semaphore(%run_scoped3A_171 : memref<!tpu.dma_semaphore, #tpu.memory_space<semaphore_mem>>) {add = true}
          %dma_wait3A_178 = arith.constant 0 : i32
          %dma_wait3A_179 = tpu.memref_slice %arg7[%add3A_158, %dma_wait3A_178] : memref<32x64xi32, #tpu.memory_space<vmem>> -> memref<1x64xi32, #tpu.memory_space<vmem>>
          %dma_wait3A_180 = tpu.memref_squeeze %dma_wait3A_179 : memref<1x64xi32, #tpu.memory_space<vmem>> -> memref<64xi32, #tpu.memory_space<vmem>>
          %dma_wait3A_181 = arith.constant 0 : i32
          %dma_wait3A_182 = arith.constant 0 : i32
          %dma_wait3A_183 = tpu.memref_slice %arg12[%dma_wait3A_181, %dma_wait3A_182] : memref<10240x128xf32, #tpu.memory_space<vmem_shared>> -> memref<10240x128xf32, #tpu.memory_space<vmem_shared>>
          tpu.wait_indirect_dma semaphore(%run_scoped3A_171 : memref<!tpu.dma_semaphore, #tpu.memory_space<semaphore_mem>>) src(%arg11 : memref<64x128xf32, #tpu.memory_space<vmem>>) dst(%dma_wait3A_183 : memref<10240x128xf32, #tpu.memory_space<vmem_shared>>)
          tpu.yield
        }) : () -> ()
        %add3A_165 = arith.constant 4 : i32
        %add3A_166 = arith.addi %add3A_158, %add3A_165 : i32
        %lt3A_167 = arith.cmpi slt, %add3A_166, %min3A_48 : i32
        %convert_element_type3A_168 = arith.extui %lt3A_167 : i1 to i32
        %cond3A_169 = arith.constant 0 : i32
        %cond3A_170 = arith.cmpi ne, %convert_element_type3A_168, %cond3A_169 : i32
        scf.if %cond3A_170 {
          %add3A_171 = arith.constant 4 : i32
          %add3A_172 = arith.addi %add3A_158, %add3A_171 : i32
          %dma_start3A_173 = arith.constant 0 : i32
          %dma_start3A_174 = tpu.memref_slice %arg6[%add3A_172, %dma_start3A_173] : memref<32x64xi32, #tpu.memory_space<vmem>> -> memref<1x64xi32, #tpu.memory_space<vmem>>
          %dma_start3A_175 = tpu.memref_squeeze %dma_start3A_174 : memref<1x64xi32, #tpu.memory_space<vmem>> -> memref<64xi32, #tpu.memory_space<vmem>>
          %dma_start3A_176 = arith.constant 0 : i32
          %dma_start3A_177 = arith.constant 0 : i32
          %dma_start3A_178 = tpu.memref_slice %arg2[%dma_start3A_176, %dma_start3A_177] : memref<10000x128xf32, #tpu.memory_space<hbm>> -> memref<10000x128xf32, #tpu.memory_space<hbm>>
          tpu.enqueue_indirect_dma source(%dma_start3A_178 : memref<10000x128xf32, #tpu.memory_space<hbm>>) target(%arg11 : memref<64x128xf32, #tpu.memory_space<vmem>>) offsets(%dma_start3A_175 : memref<64xi32, #tpu.memory_space<vmem>>) semaphore(%arg16 : memref<!tpu.dma_semaphore, #tpu.memory_space<semaphore_mem>>)
        } else {
        }
      }
    }
    %barrier3A_36 = arith.constant 0 : index
    tpu.barrier barrier_id(%barrier3A_36)
    %mul3A_37 = arith.constant 640 : i32
    %mul3A_38 = arith.muli %arg1, %mul3A_37 : i32
    "tpu.region"() ({
      %run_scoped3A = tpu.sem_alloc : memref<!tpu.dma_semaphore, #tpu.memory_space<semaphore_mem>>
      %dma_start3A = arith.constant 0 : i32
      %dma_start3A_39 = tpu.memref_slice %arg5[%arg0, %mul3A_38, %dma_start3A] : memref<2x10240x128xf32, #tpu.memory_space<hbm>> -> memref<1x640x128xf32, #tpu.memory_space<hbm>>
      %dma_start3A_40 = tpu.memref_squeeze %dma_start3A_39 : memref<1x640x128xf32, #tpu.memory_space<hbm>> -> memref<640x128xf32, #tpu.memory_space<hbm>>
      %dma_start3A_41 = arith.constant 0 : i32
      %dma_start3A_42 = tpu.memref_slice %arg12[%mul3A_38, %dma_start3A_41] : memref<10240x128xf32, #tpu.memory_space<vmem_shared>> -> memref<640x128xf32, #tpu.memory_space<vmem_shared>>
      tpu.enqueue_dma source(%dma_start3A_42 : memref<640x128xf32, #tpu.memory_space<vmem_shared>>) target(%dma_start3A_40 : memref<640x128xf32, #tpu.memory_space<hbm>>) target_semaphore(%run_scoped3A : memref<!tpu.dma_semaphore, #tpu.memory_space<semaphore_mem>>)
      %dma_wait3A = arith.constant 0 : i32
      %dma_wait3A_43 = tpu.memref_slice %arg5[%arg0, %mul3A_38, %dma_wait3A] : memref<2x10240x128xf32, #tpu.memory_space<hbm>> -> memref<1x640x128xf32, #tpu.memory_space<hbm>>
      %dma_wait3A_44 = tpu.memref_squeeze %dma_wait3A_43 : memref<1x640x128xf32, #tpu.memory_space<hbm>> -> memref<640x128xf32, #tpu.memory_space<hbm>>
      %dma_wait3A_45 = arith.constant 0 : i32
      %dma_wait3A_46 = tpu.memref_slice %arg12[%mul3A_38, %dma_wait3A_45] : memref<10240x128xf32, #tpu.memory_space<vmem_shared>> -> memref<640x128xf32, #tpu.memory_space<vmem_shared>>
      tpu.wait_dma2 semaphore(%run_scoped3A : memref<!tpu.dma_semaphore, #tpu.memory_space<semaphore_mem>>) src(%dma_wait3A_46 : memref<640x128xf32, #tpu.memory_space<vmem_shared>>) dst(%dma_wait3A_44 : memref<640x128xf32, #tpu.memory_space<hbm>>)
      tpu.yield
    }) : () -> ()
    return
  }
}

module attributes {stable_mosaic.version = 14 : i64} {
  func.func @_scale_body(%arg0: memref<10000x128xf32, #tpu.memory_space<vmem>>, %arg1: memref<2x10000x1xf32, #tpu.memory_space<vmem>>, %arg2: memref<10000x128xf32, #tpu.memory_space<vmem>>) attributes {dimension_semantics = [], scalar_prefetch = 0 : i64, scratch_operands = 0 : i64, tpu.core_type = #tpu.core_type<tc>} {
    %get3A = arith.constant 0 : index
    %get3A_0 = arith.constant 0 : index
    %get3A_1 = arith.constant 0 : index
    %get3A_2 = vector.load %arg1[%get3A, %get3A_0, %get3A_1] : memref<2x10000x1xf32, #tpu.memory_space<vmem>>, vector<1x10000x1xf32>
    %get3A_3 = vector.shape_cast %get3A_2 : vector<1x10000x1xf32> to vector<10000x1xf32>
    %get3A_4 = arith.constant 1 : index
    %get3A_5 = arith.constant 0 : index
    %get3A_6 = arith.constant 0 : index
    %get3A_7 = vector.load %arg1[%get3A_4, %get3A_5, %get3A_6] : memref<2x10000x1xf32, #tpu.memory_space<vmem>>, vector<1x10000x1xf32>
    %get3A_8 = vector.shape_cast %get3A_7 : vector<1x10000x1xf32> to vector<10000x1xf32>
    %add3A = arith.addf %get3A_3, %get3A_8 : vector<10000x1xf32>
    %jit3A = arith.constant 1.000000e+00 : f32
    %max3A = vector.broadcast %jit3A : f32 to vector<10000x1xf32>
    %max3A_9 = arith.maximumf %max3A, %add3A : vector<10000x1xf32>
    %rsqrt3A = math.rsqrt %max3A_9 : vector<10000x1xf32>
    %get3A_10 = arith.constant 0 : index
    %get3A_11 = arith.constant 0 : index
    %get3A_12 = vector.load %arg0[%get3A_10, %get3A_11] : memref<10000x128xf32, #tpu.memory_space<vmem>>, vector<10000x128xf32>
    %mul3A = vector.broadcast %rsqrt3A : vector<10000x1xf32> to vector<10000x128xf32>
    %mul3A_13 = arith.mulf %get3A_12, %mul3A : vector<10000x128xf32>
    %swap3A = arith.constant 0 : index
    %swap3A_14 = arith.constant 0 : index
    %swap3A_15 = vector.load %arg2[%swap3A, %swap3A_14] : memref<10000x128xf32, #tpu.memory_space<vmem>>, vector<10000x128xf32>
    tpu.vector_store %arg2[%swap3A, %swap3A_14], %mul3A_13 {strides = array<i32>} : memref<10000x128xf32, #tpu.memory_space<vmem>>, vector<10000x128xf32>,
    return
  }
}

module attributes {stable_mosaic.version = 14 : i64} {
  func.func @_final_body(%arg0: memref<2x10240x128xf32, #tpu.memory_space<vmem>>, %arg1: memref<10000x128xf32, #tpu.memory_space<vmem>>, %arg2: memref<2x10000x1xf32, #tpu.memory_space<vmem>>, %arg3: memref<128x128xf32, #tpu.memory_space<vmem>>, %arg4: memref<1x128xf32, #tpu.memory_space<vmem>>, %arg5: memref<10000x128xf32, #tpu.memory_space<vmem>>) attributes {dimension_semantics = [], scalar_prefetch = 0 : i64, scratch_operands = 0 : i64, tpu.core_type = #tpu.core_type<tc>} {
    %get3A = arith.constant 0 : index
    %get3A_0 = arith.constant 0 : index
    %get3A_1 = arith.constant 0 : index
    %get3A_2 = vector.load %arg0[%get3A, %get3A_0, %get3A_1] : memref<2x10240x128xf32, #tpu.memory_space<vmem>>, vector<1x10000x128xf32>
    %get3A_3 = vector.shape_cast %get3A_2 : vector<1x10000x128xf32> to vector<10000x128xf32>
    %get3A_4 = arith.constant 1 : index
    %get3A_5 = arith.constant 0 : index
    %get3A_6 = arith.constant 0 : index
    %get3A_7 = vector.load %arg0[%get3A_4, %get3A_5, %get3A_6] : memref<2x10240x128xf32, #tpu.memory_space<vmem>>, vector<1x10000x128xf32>
    %get3A_8 = vector.shape_cast %get3A_7 : vector<1x10000x128xf32> to vector<10000x128xf32>
    %add3A = arith.addf %get3A_3, %get3A_8 : vector<10000x128xf32>
    %get3A_9 = arith.constant 0 : index
    %get3A_10 = arith.constant 0 : index
    %get3A_11 = arith.constant 0 : index
    %get3A_12 = vector.load %arg2[%get3A_9, %get3A_10, %get3A_11] : memref<2x10000x1xf32, #tpu.memory_space<vmem>>, vector<1x10000x1xf32>
    %get3A_13 = vector.shape_cast %get3A_12 : vector<1x10000x1xf32> to vector<10000x1xf32>
    %get3A_14 = arith.constant 1 : index
    %get3A_15 = arith.constant 0 : index
    %get3A_16 = arith.constant 0 : index
    %get3A_17 = vector.load %arg2[%get3A_14, %get3A_15, %get3A_16] : memref<2x10000x1xf32, #tpu.memory_space<vmem>>, vector<1x10000x1xf32>
    %get3A_18 = vector.shape_cast %get3A_17 : vector<1x10000x1xf32> to vector<10000x1xf32>
    %add3A_19 = arith.addf %get3A_13, %get3A_18 : vector<10000x1xf32>
    %jit3A = arith.constant 1.000000e+00 : f32
    %max3A = vector.broadcast %jit3A : f32 to vector<10000x1xf32>
    %max3A_20 = arith.maximumf %max3A, %add3A_19 : vector<10000x1xf32>
    %rsqrt3A = math.rsqrt %max3A_20 : vector<10000x1xf32>
    %mul3A = vector.broadcast %rsqrt3A : vector<10000x1xf32> to vector<10000x128xf32>
    %mul3A_21 = arith.mulf %add3A, %mul3A : vector<10000x128xf32>
    %mul3A_22 = arith.constant 0.899999976 : f32
    %mul3A_23 = vector.broadcast %mul3A_22 : f32 to vector<10000x128xf32>
    %mul3A_24 = arith.mulf %mul3A_21, %mul3A_23 : vector<10000x128xf32>
    %get3A_25 = arith.constant 0 : index
    %get3A_26 = arith.constant 0 : index
    %get3A_27 = vector.load %arg1[%get3A_25, %get3A_26] : memref<10000x128xf32, #tpu.memory_space<vmem>>, vector<10000x128xf32>
    %mul3A_28 = arith.constant 1.000000e-01 : f32
    %mul3A_29 = vector.broadcast %mul3A_28 : f32 to vector<10000x128xf32>
    %mul3A_30 = arith.mulf %get3A_27, %mul3A_29 : vector<10000x128xf32>
    %add3A_31 = arith.addf %mul3A_24, %mul3A_30 : vector<10000x128xf32>
    %mul3A_32 = arith.constant 0.776856422 : f32
    %mul3A_33 = vector.broadcast %mul3A_32 : f32 to vector<10000x128xf32>
    %mul3A_34 = arith.mulf %mul3A_33, %add3A_31 : vector<10000x128xf32>
    %get3A_35 = arith.constant 0 : index
    %get3A_36 = arith.constant 0 : index
    %get3A_37 = vector.load %arg3[%get3A_35, %get3A_36] : memref<128x128xf32, #tpu.memory_space<vmem>>, vector<128x128xf32>
    %dot_general3A = arith.constant dense<0.000000e+00> : vector<10000x128xf32>
    %dot_general3A_38 = tpu.matmul %add3A_31, %get3A_37, %dot_general3A {dimension_numbers = #tpu.dot_dimension_numbers<[1], [0], [0], [1], [0, 0, 1, 1], [], []>, transpose_lhs_hint = false} : vector<10000x128xf32>, vector<128x128xf32>, vector<10000x128xf32> -> vector<10000x128xf32>
    %mul3A_39 = arith.constant 0.223143548 : f32
    %mul3A_40 = vector.broadcast %mul3A_39 : f32 to vector<10000x128xf32>
    %mul3A_41 = arith.mulf %mul3A_40, %dot_general3A_38 : vector<10000x128xf32>
    %add3A_42 = arith.addf %mul3A_34, %mul3A_41 : vector<10000x128xf32>
    %get3A_43 = arith.constant 0 : index
    %get3A_44 = arith.constant 0 : index
    %get3A_45 = vector.load %arg4[%get3A_43, %get3A_44] : memref<1x128xf32, #tpu.memory_space<vmem>>, vector<1x128xf32>
    %add3A_46 = vector.broadcast %get3A_45 : vector<1x128xf32> to vector<10000x128xf32>
    %add3A_47 = arith.addf %add3A_42, %add3A_46 : vector<10000x128xf32>
    %swap3A = arith.constant 0 : index
    %swap3A_48 = arith.constant 0 : index
    %swap3A_49 = vector.load %arg5[%swap3A, %swap3A_48] : memref<10000x128xf32, #tpu.memory_space<vmem>>, vector<10000x128xf32>
    tpu.vector_store %arg5[%swap3A, %swap3A_48], %add3A_47 {strides = array<i32>} : memref<10000x128xf32, #tpu.memory_space<vmem>>, vector<10000x128xf32>,
    return
  }
}

</mosaic_0001>

<sc_bundles>
// kernel: kernel.6.cloned.1.call-start
scs
__scs_entry_jumppad:
0x0: {  	(pc) =	sbr.rel $0x88, $3  }
0x1: {  	(tag) =	ssettag $0x0;
	lr =	simm.s32 $0x1  }
0x2: {  	[smem:$0x3F9C] =	sst lr;
	_ =	strace $0xD0000000  }
0x3: {  	_ = 	snop  }
0x4: {  	_ = 	snop  }
0x5: {  	_ = 	snop  }
0x6: {  	_ = 	snop  }
0x7: {  	_ = 	snop  }
__scs_overlays_trampoline_lowered:
0x8: {  	[smem:$0x3FAB] =	sst s0  }
0x9: {  	[smem:$0x3FAC] =	sst s1  }
0xa: {  	[smem:$0x3FAD] =	sst s2  }
0xb: {  	[smem:$0x3FAE] =	sst s3  }
0xc: {  	[smem:$0x3FAF] =	sst s4  }
0xd: {  	[smem:$0x3FB0] =	sst s5  }
0xe: {  	[smem:$0x3FB1] =	sst s6  }
0xf: {  	[smem:$0x3FB2] =	sst s7  }
0x10: {  	[smem:$0x3FB3] =	sst s8  }
0x11: {  	[smem:$0x3FB4] =	sst s9;
	s0 =	simm.s32 @!p0 $0x0  }
0x12: {  	s1 =	sld [smem:$0x3F9A];
	s0 =	simm.s32 @p0 $0x1  }
0x13: {  	[smem:$0x3FB5] =	sst s0;
	s0 =	simm.s32 @!p1 $0x0  }
0x14: {  	s2 =	sld [smem:$0x3F99];
	s0 =	simm.s32 @p1 $0x1  }
0x15: {  	[smem:$0x3FB6] =	sst s0;
	s0 =	simm.s32 @!p2 $0x0  }
0x16: {  	s3 =	sld [smem:$0x3FDB];
	s0 =	simm.s32 @p2 $0x1  }
0x17: {  	s4 =	simm.s32 $0x1BF5;
	[smem:$0x3FB8] =	sst s0  }
0x18: {  	s0 =	sld [smem:$0x3F9B];
	_ =	swait.ge [sflag:s4], $0x0  }
0x19: {  	s7 =	sld [smem:$0x3F9C]  }
0x1a: {  	s8 =	sadd.s32 $0xFFFFE003, lr  }
0x1b: {  	s9 =	sadd.s32 $0xFFFFFEF7, lr;
	s5 =	simm.s32 $0xFFFFFFFF;
	p2 =	slt.u32 s8, $0xFFFFF086  }
0x1c: {  	p1 =	slt.u32 s9, $0xF7A;
	s5 =	simm.s32 @!p2 $0x0  }
0x1d: {  	s5 =	simm.s32 @p1 $0x1;
	p0 =	seq.s32 s7, s2  }
0x1e: {  	s7 =	smul.u32 @!p0 $0xF7A, s2;
	p2 =	seq.s32 @!p0 s5, $0x0  }
0x1f: {  	s9 =	smul.u32 $0xF7A, s1;
	s8 =	simm.s32 @!p0 $0x1BF5;
	p2 =	por !p2, p0  }
0x20: {  	[sflag:s8] =	ssyncset.s32 @!p0 $0xFFFFF086;
	s6 =	sadd.s32 @!p0 s3, s7;
	s7 =	simm.s32 @!p0 $0x108  }
0x21: {  	s3 =	sadd.s32 s3, s9;
	s6 =	sadd.s32 @!p0 $0x88, s6;
	s7 =	simm.s32 @p2 $0x1082  }
0x22: {  	[simem:s7], [sflag:s8] =	dma.local @!p0 [hbm:s6], $0xF7A  }
0x23: {  	s9 =	sor.u32 $0xD0000000, s2;
	s6 =	simm.s32 $0x108;
	_ =	swait.ge @!p0 [sflag:s8], $0x0  }
0x24: {  	s3 =	sadd.s32 $0x88, s3;
	s6 =	simm.s32 @!p1 $0x1082;
	[sflag:s4] =	ssyncset.s32 $0xFFFFF086  }
0x25: {  	[simem:s6], [sflag:s4] =	dma.local [hbm:s3], $0xF7A  }
0x26: {  	[smem:$0x3F9C] =	sst s1;
	(tag) =	ssettag s2;
	_ =	strace s9  }
0x27: {  	s1 =	sld [smem:$0x3FAC]  }
0x28: {  	s2 =	sld [smem:$0x3FAD]  }
0x29: {  	s4 =	sld [smem:$0x3FAF]  }
0x2a: {  	p0 =	seq.s32 s5, $0x0;
	s5 =	sld [smem:$0x3FB0]  }
0x2b: {  	s6 =	sld [smem:$0x3FB1]  }
0x2c: {  	s7 =	sld [smem:$0x3FB2]  }
0x2d: {  	s3 =	simm.s32 $0x108;
	s8 =	sld [smem:$0x3FB3]  }
0x2e: {  	s3 =	simm.s32 @!p0 $0x1082;
	s9 =	sld [smem:$0x3FB4]  }
0x2f: {  	lr =	sadd.s32 s0, s3;
	s0 =	sld [smem:$0x3FAB]  }
0x30: {  	s3 =	sld [smem:$0x3FAE]  }
0x31: {  	[smem:$0x3FB7] =	sst s10  }
0x32: {  	s10 =	sld [smem:$0x3FB5];
	_ =	sdelay $0x3  }
0x33: {  	p0 =	seq.s32 s10, $0x1;
	s10 =	sld [smem:$0x3FB7];
	_ =	sdelay $0x3  }
0x34: {  	[smem:$0x3FB7] =	sst s10  }
0x35: {  	s10 =	sld [smem:$0x3FB6];
	_ =	sdelay $0x3  }
0x36: {  	p1 =	seq.s32 s10, $0x1;
	s10 =	sld [smem:$0x3FB7];
	_ =	sdelay $0x3  }
0x37: {  	[smem:$0x3FB7] =	sst s10  }
0x38: {  	s10 =	sld [smem:$0x3FB8]  }
0x39: {  	_ = 	snop;
	(pc) =	sbr.ind lr, $3  }
0x3a: {  	_ = 	snop  }
0x3b: {  	_ = 	snop  }
0x3c: {  	p2 =	seq.s32 s10, $0x1;
	s10 =	sld [smem:$0x3FB7]  }
0x3d: {  	_ =	shalt  }
0x3e: {  	_ =	shalt  }
0x3f: {  	_ =	shalt  }
0x40: {  	_ =	shalt  }
0x41: {  	_ =	shalt  }
0x42: {  	_ =	shalt  }
0x43: {  	_ =	shalt  }
0x44: {  	_ =	shalt  }
0x45: {  	_ =	shalt  }
0x46: {  	_ =	shalt  }
0x47: {  	_ =	shalt  }
0x48: {  	_ =	shalt  }
0x49: {  	_ =	shalt  }
0x4a: {  	_ =	shalt  }
0x4b: {  	_ =	shalt  }
0x4c: {  	_ =	shalt  }
0x4d: {  	_ =	shalt  }
0x4e: {  	_ =	shalt  }
0x4f: {  	_ =	shalt  }
0x50: {  	_ =	shalt  }
0x51: {  	_ =	shalt  }
0x52: {  	_ =	shalt  }
0x53: {  	_ =	shalt  }
0x54: {  	_ =	shalt  }
0x55: {  	_ =	shalt  }
0x56: {  	_ =	shalt  }
0x57: {  	_ =	shalt  }
0x58: {  	_ =	shalt  }
0x59: {  	_ =	shalt  }
0x5a: {  	_ =	shalt  }
0x5b: {  	_ =	shalt  }
0x5c: {  	_ =	shalt  }
0x5d: {  	_ =	shalt  }
0x5e: {  	_ =	shalt  }
0x5f: {  	_ =	shalt  }
0x60: {  	_ =	shalt  }
0x61: {  	_ =	shalt  }
0x62: {  	_ =	shalt  }
0x63: {  	_ =	shalt  }
0x64: {  	_ =	shalt  }
0x65: {  	_ =	shalt  }
0x66: {  	_ =	shalt  }
0x67: {  	_ =	shalt  }
0x68: {  	_ =	shalt  }
0x69: {  	_ =	shalt  }
0x6a: {  	_ =	shalt  }
0x6b: {  	_ =	shalt  }
0x6c: {  	_ =	shalt  }
0x6d: {  	_ =	shalt  }
0x6e: {  	_ =	shalt  }
0x6f: {  	_ =	shalt  }
0x70: {  	_ =	shalt  }
0x71: {  	_ =	shalt  }
0x72: {  	_ =	shalt  }
0x73: {  	_ =	shalt  }
0x74: {  	_ =	shalt  }
0x75: {  	_ =	shalt  }
0x76: {  	_ =	shalt  }
0x77: {  	_ =	shalt  }
0x78: {  	_ =	shalt  }
0x79: {  	_ =	shalt  }
0x7a: {  	_ =	shalt  }
0x7b: {  	_ =	shalt  }
0x7c: {  	_ =	shalt  }
0x7d: {  	_ =	shalt  }
0x7e: {  	_ =	shalt  }
0x7f: {  	_ =	shalt  }
0x80: {  	_ =	shalt  }
0x81: {  	_ =	shalt  }
0x82: {  	_ =	shalt  }
0x83: {  	_ =	shalt  }
0x84: {  	_ =	shalt  }
0x85: {  	_ =	shalt  }
0x86: {  	_ =	shalt  }
0x87: {  	_ =	shalt  }
.Lfunc_end0:
.L_simem_size_0:
called_computation_lowered:
.L_overlay_start_0:
0x88: {  	s2 =	sld [smem:$0x3FD9]  }
0x89: {  	s3 =	sld [smem:$0x3FFE];
	_ =	sdelay $0x1  }
0x8a: {  	s1 =	srdreg.scid  }
0x8b: {  	s0 =	sand.u32 $0x1, s1  }
0x8c: {  	s17 =	sshll.u32 s0, $0xA;
	s2 =	sadd.s32 s3, s2  }
0x8d: {  	s2 =	sadd.s32 s2, s17  }
0x8e: {  	[smem:$0x3FC3] =	sst s2  }
0x8f: {  	_ = 	snop  }
0x90: {  	s2 =	sld [smem:$0x3FD0];
	(tm) =	ssettm $0x1  }
0x91: {  	s18 =	sld [smem:$0x3FFB];
	_ =	sdelay $0x3  }
0x92: {  	_ =	strace s18  }
0x93: {  	s3 =	sld [smem:$0x3FFC];
	_ =	sdelay $0x3  }
0x94: {  	_ =	strace s3  }
0x95: {  	s3 =	sld [smem:$0x3FFD];
	_ =	sdelay $0x3  }
0x96: {  	_ =	strace s3  }
0x97: {  	_ =	strace $0x8FFFFFFF  }
0x98: {  	s19 =	sld [smem:$0x3FDB];
	_ =	sdelay $0x1  }
0x99: {  	s4 =	simm.s32 $_scs_section_size  }
0x9a: {  	s5 =	simm.s32 $_size__tile_overlayer_lowered;
	s6 =	simm.s32 $_tile_overlayer_lowered  }
0x9b: {  	s22 =	simm.s32 $0x1BFF;
	s21 =	sshll.u32 s6, $0x1;
	s3 =	sadd.s32 s4, s19  }
0x9c: {  	s7 =	simm.s32 $0x0;
	s20 =	sshll.u32 s5, $0x1;
	s5 =	sadd.s32 s21, s3  }
0x9d: {  	[timem:s7], [sflag:s22] =	dma.local [hbm:s5], s20  }
0x9e: {  	_ =	swait.ge [sflag:s22], s20  }
0x9f: {  	s4 =	ssub.s32 $0x0, s20;
	[sflag:s22] =	ssyncset.done $0x0  }
0xa0: {  	[sflag:s22] =	ssyncadd.s32 s4;
	_ =	sdelay $0x1  }
0xa1: {  	s23 =	simm.s32 $0x1B8B  }
0xa2: {  	_ =	swait.ge [sflag:s23], $0x1  }
0xa3: {  	[sflag:s23] =	ssyncset.done $0x0  }
0xa4: {  	s25 =	simm.s32 $0x1B8E;
	s24 =	sld [smem:$0x3FFE];
	[sflag:s23] =	ssyncadd.s32 $0xFFFFFFFF  }
0xa5: {  	s26 =	simm.s32 $execute0_lowered;
	[smem:$0x3FD2] =	sst s25  }
0xa6: {  	s5 =	sshll.u32 s26, $0x1;
	_ =	strace $0x80000046;
	[dreg:$0x1] =	wrdreg $0xFFFFFFFF  }
0xa7: {  	s28 =	simm.s32 $_size_execute0_lowered;
	s3 =	sadd.s32 s3, s5;
	[dreg:$0x0] =	wrdreg $0x0  }
0xa8: {  	s5 =	sshll.u32 s28, $0x1;
	[dreg:$0x2] =	wrdreg s3  }
0xa9: {  	[dreg:$0x3] =	wrdreg s5  }
0xaa: {  	[dreg:$0x4] =	wrdreg $0xC0  }
0xab: {  	_ =	task [dreg:s7], $0x5FFFF  }
0xac: {  	[dreg:$0x1] =	wrdreg $0xFFFFFFFF  }
0xad: {  	[dreg:$0x0] =	wrdreg $0x60  }
0xae: {  	[dreg:$0x2] =	wrdreg s2  }
0xaf: {  	[dreg:$0x3] =	wrdreg s24  }
0xb0: {  	[dreg:$0x4] =	wrdreg $0x50800  }
0xb1: {  	[dreg:$0x5] =	wrdreg $0x53000  }
0xb2: {  	[dreg:$0x6] =	wrdreg $0x9  }
0xb3: {  	_ =	task.clear_ibuf [dreg:s7], $0x7FFFF;
	_ =	strace $0x90000046  }
0xb4: {  	s29 =	simm.s32 $0x9;
	_ =	strace $0x80000048  }
0xb5: {  	_ =	swait.ge [sflag:s29], $0x1  }
0xb6: {  	[sflag:s29] =	ssyncadd.s32 $0xFFFFFFFF  }
0xb7: {  	_ =	strace $0x90000048  }
0xb8: {  	_ =	sfence  }
0xb9: {  	s30 =	sld [smem:$0x0];
	_ =	sdelay $0x2  }
0xba: {  	s31 =	sshll.u32 s1, $0xD;
	s1 =	sshrl.u32 s1, $0x2  }
0xbb: {  	s3 =	sand.u32 $0x4000, s31;
	s1 =	sadd.s32 s1, s30  }
0xbc: {  	s0 =	sor.u32 s3, s0;
	s1 =	sshll.u32 s1, $0x11  }
0xbd: {  	s0 =	sor.u32 s1, s0  }
0xbe: {  	s0 =	sadd.s32 $0x8F2B, s0  }
0xbf: {  	[sflag:s0] =	ssyncadd.remote.s32 $0x1  }
0xc0: {  	_ =	sfence.sel $0xFFFF  }
0xc1: {  	[dreg:$0x0] =	wrdreg $0xFFFFFFFF;
	(pc) =	sbr.abs _section_cstart, $3  }
0xc2: {  	[dreg:$0x1] =	wrdreg $0xFFFFFFFF  }
0xc3: {  	_ =	task.clear_ibuf [dreg:s7], $0x2FFFF;
	_ =	strace $0x9FFFFFFF  }
0xc4: {  	(tm) =	ssettm $0x7FFFFFFF  }
0xc5: {  	_ =	shalt  }
tec
execute0_lowered:
.L_overlay_start_1:
0x0: {  	(tag) =	ssettag $0x1  }
0x1: {  	s7 =	rddreg [dreg:$0x0]  }
0x2: {  	s8 =	rddreg [dreg:$0x1]  }
0x3: {  	s1 =	rddreg [dreg:$0x2]  }
0x4: {  	s3 =	rddreg [dreg:$0x3];
	s2 =	srdreg.scid  }
0x5: {  	s0 =	rddreg [dreg:$0x4];
	s4 =	simm.s32 $0x0;
	s13 =	simm.s32 $0x2  }
0x6: {  	s14 =	simm.s32 $0x5000;
	s18 =	simm.s32 $0x80;
	s19 =	simm.s32 $0x1  }
0x7: {  	s20 =	simm.s32 $0x20;
	s21 =	simm.s32 $0x10;
	s9 =	sand.u32 $0x1, s2  }
0x8: {  	s22 =	simm.s32 $0x0;
	s2 =	stileid.u32;
	s5 =	smul.u32 $0x5000, s9  }
0x9: {  	[smem:$0x7FF] =	sst s4;
	s6 =	smul.u32 $0x500, s2;
	s10 =	sshll.u32 s2, $0x1  }
0xa: {  	_ =	strace $0x80000047;
	s28 =	ssub.s32 $0x2, s9;
	s31 =	smul.u32 $0x280, s2  }
0xb: {  	s15 =	sshll.u32 s2, $0x6;
	s10 =	sor.u32 s9, s10;
	s30 =	sshrl.u32 s28, $0x1  }
0xc: {  	s9 =	simm.s32 $0xA;
	s15 =	sor.u32 $0x1C02, s15;
	s11 =	sadd.s32 s6, s5  }
0xd: {  	s12 =	smul.u32 $0x2800, s10;
	s5 =	sadd.s32 $0x1A00, s8;
	s6 =	sadd.s32 $0x1800, s8  }
0xe: {  	p0 =	seq.s32 s10, $0x1F;
	s16 =	sadd.s32 s31, s1;
	s17 =	sadd.s32 s31, s3  }
0xf: {  	s11 =	sshrl.u32 s11, $0x3;
	s9 =	simm.s32 @!p0 $0x28;
	s16 =	sshrl.u32 s16, $0x3  }
0x10: {  	s17 =	sshrl.u32 s17, $0x3;
	s11 =	sadd.s32 s11, s8;
	s29 =	sshrl.u32 s12, $0x3  }
0x11: {  	s12 =	ssub.s32 s28, s30;
	s7 =	sadd.s32 s7, s29;
	s10 =	sadd.s32 $0x1C00, s11  }
0x12: {  	s11 =	sadd.s32 $0x1C10, s11;
	s12 =	smax.u32 s12, $0x1;
	s8 =	sadd.s32 $0xA000, s7  }
.LBB2_1:
0x13: {  	[tilespmem:s4], [sflag:$0x2] =	stream.linear.gather [hbm4b:s7+s4], $0x2800, $0x38;
	[tilespmem:$0x5580] =	vst v63  }
0x14: {  	_ =	swait.ge [sflag:s13], $0x2800  }
0x15: {  	[sflag:s13] =	ssyncset.done $0x0  }
0x16: {  	s23 =	simm.s32 $0x2800;
	[sflag:s13] =	ssyncadd.s32 $0xFFFFD800  }
0x17: {  	[tilespmem:s23], [sflag:$0x2] =	stream.linear.gather [hbm4b:s8+s4], $0x2800, $0x38;
	[tilespmem:$0x5580] =	vst v63  }
0x18: {  	_ =	swait.ge [sflag:s13], $0x2800  }
0x19: {  	[sflag:s13] =	ssyncset.done $0x0  }
0x1a: {  	[sflag:s13] =	ssyncadd.s32 $0xFFFFD800  }
0x1b: {  	[tilespmem:s14], [sflag:$0x2] =	stream.linear.gather [hbm4b:s5+s4], $0x80, $0x38;
	[tilespmem:$0x5580] =	vst v63  }
0x1c: {  	_ =	swait.ge [sflag:s13], $0x80  }
0x1d: {  	[sflag:s13] =	ssyncset.done $0x0  }
0x1e: {  	[sflag:s13] =	ssyncadd.s32 $0xFFFFFF80  }
0x1f: {  	[spmem:s16], [sflag:s15] =	dma.local [hbm:s6], $0x50  }
0x20: {  	_ =	swait.ge [sflag:s13], $0x50  }
0x21: {  	[sflag:s13] =	ssyncset.done $0x0  }
0x22: {  	[sflag:s13] =	ssyncadd.s32 $0xFFFFFFB0  }
0x23: {  	[spmem:s17], [sflag:s15] =	dma.local [hbm:s6], $0x50  }
0x24: {  	_ =	swait.ge [sflag:s13], $0x50  }
0x25: {  	[sflag:s13] =	ssyncset.done $0x0  }
0x26: {  	[sflag:s13] =	ssyncadd.s32 $0xFFFFFFB0  }
0x27: {  	[bflag:$0x0] =	sbarrier.arrive $0xFFFF  }
0x28: {  	[spmem:s1] =	stream.indirect.scatter.add.f32 [tilespmem:s14], [sflag:$0x1], $0x1, s4, s18, $0xb8;
	[tilespmem:$0x5580] =	vst v63  }
0x29: {  	_ = 	snop  }
0x2a: {  	[spmem:s3] =	stream.indirect.scatter.add.f32 [tilespmem:s14], [sflag:$0x1], $0x1, s23, s18, $0xb8;
	[tilespmem:$0x5580] =	vst v63  }
0x2b: {  	s24 =	simm.s32 $0x80  }
0x2c: {  	[spmem:s1] =	stream.indirect.scatter.add.f32 [tilespmem:s14], [sflag:$0x1], $0x1, s24, s18, $0xb8;
	[tilespmem:$0x5580] =	vst v63  }
0x2d: {  	s31 =	simm.s32 $0x2880  }
0x2e: {  	[spmem:s3] =	stream.indirect.scatter.add.f32 [tilespmem:s14], [sflag:$0x1], $0x1, s31, s18, $0xb8;
	[tilespmem:$0x5580] =	vst v63  }
0x2f: {  	_ =	swait.ge [sflag:s19], $0x80  }
0x30: {  	[sflag:s19] =	ssyncset.done $0x0  }
0x31: {  	[sflag:s19] =	ssyncadd.s32 $0xFFFFFF80  }
0x32: {  	_ =	swait.ge [sflag:s19], $0x80  }
0x33: {  	[sflag:s19] =	ssyncset.done $0x0  }
0x34: {  	p0 =	sne.s32 s9, $0x1;
	[sflag:s19] =	ssyncadd.s32 $0xFFFFFF80  }
.Ltmp0:
0x35: {  	_ =	swait.ge [sflag:s19], $0x80;
	(pc) =	sbr.rel @!p0 .LBB2_3-.Ltmp0, $4  }
0x36: {  	[sflag:s19] =	ssyncset.done $0x0  }
0x37: {  	[sflag:s19] =	ssyncadd.s32 $0xFFFFFF80  }
0x38: {  	_ =	swait.ge [sflag:s19], $0x80  }
0x39: {  	s25 =	simm.s32 $0x0;
	s24 =	sadd.s32 $0xFFFFFFFF, s9;
	[sflag:s19] =	ssyncset.done $0x0  }
.LBB2_2:
0x3a: {  	[sflag:s19] =	ssyncadd.s32 $0xFFFFFF80;
	s25 =	sadd.s32 $0x100, s25;
	s23 =	sadd.s32 $0x100, s23  }
0x3b: {  	[spmem:s1] =	stream.indirect.scatter.add.f32 [tilespmem:s14], [sflag:$0x1], $0x1, s25, s18, $0xb8;
	[tilespmem:$0x5580] =	vst v63  }
0x3c: {  	p0 =	sne.s32 s24, $0x1;
	s24 =	sadd.s32 $0xFFFFFFFF, s24  }
0x3d: {  	[spmem:s3] =	stream.indirect.scatter.add.f32 [tilespmem:s14], [sflag:$0x1], $0x1, s23, s18, $0xb8;
	[tilespmem:$0x5580] =	vst v63  }
0x3e: {  	s26 =	sadd.s32 $0x80, s25  }
0x3f: {  	[spmem:s1] =	stream.indirect.scatter.add.f32 [tilespmem:s14], [sflag:$0x1], $0x1, s26, s18, $0xb8;
	[tilespmem:$0x5580] =	vst v63  }
0x40: {  	s26 =	sadd.s32 $0x80, s23  }
0x41: {  	[spmem:s3] =	stream.indirect.scatter.add.f32 [tilespmem:s14], [sflag:$0x1], $0x1, s26, s18, $0xb8;
	[tilespmem:$0x5580] =	vst v63  }
0x42: {  	_ =	swait.ge [sflag:s19], $0x80  }
0x43: {  	[sflag:s19] =	ssyncset.done $0x0  }
0x44: {  	[sflag:s19] =	ssyncadd.s32 $0xFFFFFF80  }
0x45: {  	_ =	swait.ge [sflag:s19], $0x80  }
0x46: {  	[sflag:s19] =	ssyncset.done $0x0  }
0x47: {  	[sflag:s19] =	ssyncadd.s32 $0xFFFFFF80  }
.Ltmp1:
0x48: {  	_ =	swait.ge [sflag:s19], $0x80;
	(pc) =	sbr.rel @p0 .LBB2_2-.Ltmp1, $4  }
0x49: {  	[sflag:s19] =	ssyncset.done $0x0  }
0x4a: {  	[sflag:s19] =	ssyncadd.s32 $0xFFFFFF80  }
0x4b: {  	_ =	swait.ge [sflag:s19], $0x80  }
0x4c: {  	[sflag:s19] =	ssyncset.done $0x0  }
.LBB2_3:
0x4d: {  	[sflag:s19] =	ssyncadd.s32 $0xFFFFFF80  }
0x4e: {  	[bflag:$0x0] =	sbarrier.arrive $0xFFFF  }
0x4f: {  	[hbm:s10@s20], [sflag:s15] =	dma.strided [spmem:s16@s21], $0x50, s19, $0x10   }
0x50: {  	s22 =	sadd.s32 $0x1, s22;
	_ =	swait.ge [sflag:s13], $0x50  }
0x51: {  	p0 =	sne.s32 s22, s12;
	[sflag:s13] =	ssyncset.done $0x0  }
.Ltmp2:
0x52: {  	[sflag:s13] =	ssyncadd.s32 $0xFFFFFFB0;
	(pc) =	sbr.rel @p0 .LBB2_1-.Ltmp2, $4  }
0x53: {  	[hbm:s11@s20], [sflag:s15] =	dma.strided [spmem:s17@s21], $0x50, s19, $0x10   }
0x54: {  	_ =	swait.ge [sflag:s13], $0x50  }
0x55: {  	[sflag:s13] =	ssyncset.done $0x0  }
0x56: {  	[sflag:s13] =	ssyncadd.s32 $0xFFFFFFB0  }
0x57: {  	_ =	sfence.sel $0x180000  }
0x58: {  	[bflag:$0x0] =	sbarrier.arrive $0xFFFF  }
0x59: {  	p0 =	sne.s32 s2, $0x0;
	_ =	strace $0x90000047  }
0x5a: {  	s0 =	sadd.s32 @!p0 $0x100000, s0;
	[bflag:$0x2] =	sbarrier.arrive $0xFFFF  }
0x5b: {  	[sflag:s0] =	ssyncadd.tile.s32 @!p0 $0x1;
	_ =	shalt  }
.Lfunc_end2:
_tile_overlayer_lowered:
.L_overlay_start_2:
0x5c: {  	(tag) =	ssettag $0x2  }
0x5d: {  	s0 =	rddreg [dreg:$0x0];
	s2 =	stileid.u32  }
0x5e: {  	s1 =	rddreg [dreg:$0x1];
	p0 =	sne.s32 s2, $0x0  }
0x5f: {  	s3 =	rddreg [dreg:$0x2];
	[bflag:$0x3] =	sbarrier.arrive $0xFFFF;
	s2 =	simm.s32 @!p0 $0x1C02  }
0x60: {  	[timem:s3], [sflag:s2] =	dma.local @!p0 [hbm:s0], s1  }
0x61: {  	s0 =	simm.s32 @!p0 $0x2  }
0x62: {  	_ =	swait.ge @!p0 [sflag:s0], s1  }
0x63: {  	s1 =	ssub.s32 @!p0 $0x0, s1;
	[sflag:s0] =	ssyncset.done @!p0 $0x0  }
0x64: {  	[sflag:s0] =	ssyncadd.s32 @!p0 s1  }
0x65: {  	[bflag:$0x3] =	sbarrier.arrive $0xFFFF  }
0x66: {  	_ =	shalt  }

// kernel: kernel.9.cloned.1.call-start
scs
__scs_entry_jumppad:
0x0: {  	(pc) =	sbr.rel $0x88, $3  }
0x1: {  	(tag) =	ssettag $0x0;
	lr =	simm.s32 $0x1  }
0x2: {  	[smem:$0x3F9C] =	sst lr;
	_ =	strace $0xD0000000  }
0x3: {  	_ = 	snop  }
0x4: {  	_ = 	snop  }
0x5: {  	_ = 	snop  }
0x6: {  	_ = 	snop  }
0x7: {  	_ = 	snop  }
__scs_overlays_trampoline_lowered:
0x8: {  	[smem:$0x3FAB] =	sst s0  }
0x9: {  	[smem:$0x3FAC] =	sst s1  }
0xa: {  	[smem:$0x3FAD] =	sst s2  }
0xb: {  	[smem:$0x3FAE] =	sst s3  }
0xc: {  	[smem:$0x3FAF] =	sst s4  }
0xd: {  	[smem:$0x3FB0] =	sst s5  }
0xe: {  	[smem:$0x3FB1] =	sst s6  }
0xf: {  	[smem:$0x3FB2] =	sst s7  }
0x10: {  	[smem:$0x3FB3] =	sst s8  }
0x11: {  	[smem:$0x3FB4] =	sst s9;
	s0 =	simm.s32 @!p0 $0x0  }
0x12: {  	s1 =	sld [smem:$0x3F9A];
	s0 =	simm.s32 @p0 $0x1  }
0x13: {  	[smem:$0x3FB5] =	sst s0;
	s0 =	simm.s32 @!p1 $0x0  }
0x14: {  	s2 =	sld [smem:$0x3F99];
	s0 =	simm.s32 @p1 $0x1  }
0x15: {  	[smem:$0x3FB6] =	sst s0;
	s0 =	simm.s32 @!p2 $0x0  }
0x16: {  	s3 =	sld [smem:$0x3FDB];
	s0 =	simm.s32 @p2 $0x1  }
0x17: {  	s4 =	simm.s32 $0x1BF5;
	[smem:$0x3FB8] =	sst s0  }
0x18: {  	s0 =	sld [smem:$0x3F9B];
	_ =	swait.ge [sflag:s4], $0x0  }
0x19: {  	s7 =	sld [smem:$0x3F9C]  }
0x1a: {  	s8 =	sadd.s32 $0xFFFFE003, lr  }
0x1b: {  	s9 =	sadd.s32 $0xFFFFFEF7, lr;
	s5 =	simm.s32 $0xFFFFFFFF;
	p2 =	slt.u32 s8, $0xFFFFF086  }
0x1c: {  	p1 =	slt.u32 s9, $0xF7A;
	s5 =	simm.s32 @!p2 $0x0  }
0x1d: {  	s5 =	simm.s32 @p1 $0x1;
	p0 =	seq.s32 s7, s2  }
0x1e: {  	s7 =	smul.u32 @!p0 $0xF7A, s2;
	p2 =	seq.s32 @!p0 s5, $0x0  }
0x1f: {  	s9 =	smul.u32 $0xF7A, s1;
	s8 =	simm.s32 @!p0 $0x1BF5;
	p2 =	por !p2, p0  }
0x20: {  	[sflag:s8] =	ssyncset.s32 @!p0 $0xFFFFF086;
	s6 =	sadd.s32 @!p0 s3, s7;
	s7 =	simm.s32 @!p0 $0x108  }
0x21: {  	s3 =	sadd.s32 s3, s9;
	s6 =	sadd.s32 @!p0 $0x88, s6;
	s7 =	simm.s32 @p2 $0x1082  }
0x22: {  	[simem:s7], [sflag:s8] =	dma.local @!p0 [hbm:s6], $0xF7A  }
0x23: {  	s9 =	sor.u32 $0xD0000000, s2;
	s6 =	simm.s32 $0x108;
	_ =	swait.ge @!p0 [sflag:s8], $0x0  }
0x24: {  	s3 =	sadd.s32 $0x88, s3;
	s6 =	simm.s32 @!p1 $0x1082;
	[sflag:s4] =	ssyncset.s32 $0xFFFFF086  }
0x25: {  	[simem:s6], [sflag:s4] =	dma.local [hbm:s3], $0xF7A  }
0x26: {  	[smem:$0x3F9C] =	sst s1;
	(tag) =	ssettag s2;
	_ =	strace s9  }
0x27: {  	s1 =	sld [smem:$0x3FAC]  }
0x28: {  	s2 =	sld [smem:$0x3FAD]  }
0x29: {  	s4 =	sld [smem:$0x3FAF]  }
0x2a: {  	p0 =	seq.s32 s5, $0x0;
	s5 =	sld [smem:$0x3FB0]  }
0x2b: {  	s6 =	sld [smem:$0x3FB1]  }
0x2c: {  	s7 =	sld [smem:$0x3FB2]  }
0x2d: {  	s3 =	simm.s32 $0x108;
	s8 =	sld [smem:$0x3FB3]  }
0x2e: {  	s3 =	simm.s32 @!p0 $0x1082;
	s9 =	sld [smem:$0x3FB4]  }
0x2f: {  	lr =	sadd.s32 s0, s3;
	s0 =	sld [smem:$0x3FAB]  }
0x30: {  	s3 =	sld [smem:$0x3FAE]  }
0x31: {  	[smem:$0x3FB7] =	sst s10  }
0x32: {  	s10 =	sld [smem:$0x3FB5];
	_ =	sdelay $0x3  }
0x33: {  	p0 =	seq.s32 s10, $0x1;
	s10 =	sld [smem:$0x3FB7];
	_ =	sdelay $0x3  }
0x34: {  	[smem:$0x3FB7] =	sst s10  }
0x35: {  	s10 =	sld [smem:$0x3FB6];
	_ =	sdelay $0x3  }
0x36: {  	p1 =	seq.s32 s10, $0x1;
	s10 =	sld [smem:$0x3FB7];
	_ =	sdelay $0x3  }
0x37: {  	[smem:$0x3FB7] =	sst s10  }
0x38: {  	s10 =	sld [smem:$0x3FB8]  }
0x39: {  	_ = 	snop;
	(pc) =	sbr.ind lr, $3  }
0x3a: {  	_ = 	snop  }
0x3b: {  	_ = 	snop  }
0x3c: {  	p2 =	seq.s32 s10, $0x1;
	s10 =	sld [smem:$0x3FB7]  }
0x3d: {  	_ =	shalt  }
0x3e: {  	_ =	shalt  }
0x3f: {  	_ =	shalt  }
0x40: {  	_ =	shalt  }
0x41: {  	_ =	shalt  }
0x42: {  	_ =	shalt  }
0x43: {  	_ =	shalt  }
0x44: {  	_ =	shalt  }
0x45: {  	_ =	shalt  }
0x46: {  	_ =	shalt  }
0x47: {  	_ =	shalt  }
0x48: {  	_ =	shalt  }
0x49: {  	_ =	shalt  }
0x4a: {  	_ =	shalt  }
0x4b: {  	_ =	shalt  }
0x4c: {  	_ =	shalt  }
0x4d: {  	_ =	shalt  }
0x4e: {  	_ =	shalt  }
0x4f: {  	_ =	shalt  }
0x50: {  	_ =	shalt  }
0x51: {  	_ =	shalt  }
0x52: {  	_ =	shalt  }
0x53: {  	_ =	shalt  }
0x54: {  	_ =	shalt  }
0x55: {  	_ =	shalt  }
0x56: {  	_ =	shalt  }
0x57: {  	_ =	shalt  }
0x58: {  	_ =	shalt  }
0x59: {  	_ =	shalt  }
0x5a: {  	_ =	shalt  }
0x5b: {  	_ =	shalt  }
0x5c: {  	_ =	shalt  }
0x5d: {  	_ =	shalt  }
0x5e: {  	_ =	shalt  }
0x5f: {  	_ =	shalt  }
0x60: {  	_ =	shalt  }
0x61: {  	_ =	shalt  }
0x62: {  	_ =	shalt  }
0x63: {  	_ =	shalt  }
0x64: {  	_ =	shalt  }
0x65: {  	_ =	shalt  }
0x66: {  	_ =	shalt  }
0x67: {  	_ =	shalt  }
0x68: {  	_ =	shalt  }
0x69: {  	_ =	shalt  }
0x6a: {  	_ =	shalt  }
0x6b: {  	_ =	shalt  }
0x6c: {  	_ =	shalt  }
0x6d: {  	_ =	shalt  }
0x6e: {  	_ =	shalt  }
0x6f: {  	_ =	shalt  }
0x70: {  	_ =	shalt  }
0x71: {  	_ =	shalt  }
0x72: {  	_ =	shalt  }
0x73: {  	_ =	shalt  }
0x74: {  	_ =	shalt  }
0x75: {  	_ =	shalt  }
0x76: {  	_ =	shalt  }
0x77: {  	_ =	shalt  }
0x78: {  	_ =	shalt  }
0x79: {  	_ =	shalt  }
0x7a: {  	_ =	shalt  }
0x7b: {  	_ =	shalt  }
0x7c: {  	_ =	shalt  }
0x7d: {  	_ =	shalt  }
0x7e: {  	_ =	shalt  }
0x7f: {  	_ =	shalt  }
0x80: {  	_ =	shalt  }
0x81: {  	_ =	shalt  }
0x82: {  	_ =	shalt  }
0x83: {  	_ =	shalt  }
0x84: {  	_ =	shalt  }
0x85: {  	_ =	shalt  }
0x86: {  	_ =	shalt  }
0x87: {  	_ =	shalt  }
.Lfunc_end0:
.L_simem_size_0:
called_computation.1_lowered:
.L_overlay_start_0:
0x88: {  	s2 =	sld [smem:$0x3FD9]  }
0x89: {  	s3 =	sld [smem:$0x3FFE];
	_ =	sdelay $0x1  }
0x8a: {  	s1 =	srdreg.scid  }
0x8b: {  	s0 =	sand.u32 $0x1, s1  }
0x8c: {  	s17 =	sshll.u32 s0, $0xA;
	s2 =	sadd.s32 s3, s2  }
0x8d: {  	s2 =	sadd.s32 s2, s17  }
0x8e: {  	[smem:$0x3FC3] =	sst s2  }
0x8f: {  	_ = 	snop  }
0x90: {  	s2 =	sld [smem:$0x3FD0];
	(tm) =	ssettm $0x1  }
0x91: {  	s18 =	sld [smem:$0x3FFB];
	_ =	sdelay $0x3  }
0x92: {  	_ =	strace s18  }
0x93: {  	s3 =	sld [smem:$0x3FFC];
	_ =	sdelay $0x3  }
0x94: {  	_ =	strace s3  }
0x95: {  	s3 =	sld [smem:$0x3FFD];
	_ =	sdelay $0x3  }
0x96: {  	_ =	strace s3  }
0x97: {  	_ =	strace $0x8FFFFFFF  }
0x98: {  	s19 =	sld [smem:$0x3FDB];
	_ =	sdelay $0x1  }
0x99: {  	s4 =	simm.s32 $_scs_section_size  }
0x9a: {  	s5 =	simm.s32 $_size__tile_overlayer_lowered;
	s6 =	simm.s32 $_tile_overlayer_lowered  }
0x9b: {  	s22 =	simm.s32 $0x1BFF;
	s21 =	sshll.u32 s6, $0x1;
	s3 =	sadd.s32 s4, s19  }
0x9c: {  	s7 =	simm.s32 $0x0;
	s20 =	sshll.u32 s5, $0x1;
	s5 =	sadd.s32 s21, s3  }
0x9d: {  	[timem:s7], [sflag:s22] =	dma.local [hbm:s5], s20  }
0x9e: {  	_ =	swait.ge [sflag:s22], s20  }
0x9f: {  	s4 =	ssub.s32 $0x0, s20;
	[sflag:s22] =	ssyncset.done $0x0  }
0xa0: {  	[sflag:s22] =	ssyncadd.s32 s4;
	_ =	sdelay $0x1  }
0xa1: {  	s23 =	simm.s32 $0x1B8B  }
0xa2: {  	_ =	swait.ge [sflag:s23], $0x1  }
0xa3: {  	[sflag:s23] =	ssyncset.done $0x0  }
0xa4: {  	s25 =	simm.s32 $0x1B8E;
	s24 =	sld [smem:$0x3FFE];
	[sflag:s23] =	ssyncadd.s32 $0xFFFFFFFF  }
0xa5: {  	s26 =	simm.s32 $execute0_lowered;
	[smem:$0x3FD2] =	sst s25  }
0xa6: {  	s5 =	sshll.u32 s26, $0x1;
	_ =	strace $0x80000049;
	[dreg:$0x1] =	wrdreg $0xFFFFFFFF  }
0xa7: {  	s28 =	simm.s32 $_size_execute0_lowered;
	s3 =	sadd.s32 s3, s5;
	[dreg:$0x0] =	wrdreg $0x0  }
0xa8: {  	s5 =	sshll.u32 s28, $0x1;
	[dreg:$0x2] =	wrdreg s3  }
0xa9: {  	[dreg:$0x3] =	wrdreg s5  }
0xaa: {  	[dreg:$0x4] =	wrdreg $0xC0  }
0xab: {  	_ =	task [dreg:s7], $0x5FFFF  }
0xac: {  	[dreg:$0x1] =	wrdreg $0xFFFFFFFF  }
0xad: {  	[dreg:$0x0] =	wrdreg $0x60  }
0xae: {  	[dreg:$0x2] =	wrdreg s2  }
0xaf: {  	[dreg:$0x3] =	wrdreg s24  }
0xb0: {  	[dreg:$0x4] =	wrdreg $0xA0000  }
0xb1: {  	[dreg:$0x5] =	wrdreg $0x9  }
0xb2: {  	_ =	task.clear_ibuf [dreg:s7], $0x6FFFF;
	_ =	strace $0x90000049  }
0xb3: {  	s29 =	simm.s32 $0x9;
	_ =	strace $0x8000004B  }
0xb4: {  	_ =	swait.ge [sflag:s29], $0x1  }
0xb5: {  	[sflag:s29] =	ssyncadd.s32 $0xFFFFFFFF  }
0xb6: {  	_ =	strace $0x9000004B  }
0xb7: {  	_ =	sfence  }
0xb8: {  	s30 =	sld [smem:$0x0];
	_ =	sdelay $0x2  }
0xb9: {  	s31 =	sshll.u32 s1, $0xD;
	s1 =	sshrl.u32 s1, $0x2  }
0xba: {  	s3 =	sand.u32 $0x4000, s31;
	s1 =	sadd.s32 s1, s30  }
0xbb: {  	s0 =	sor.u32 s3, s0;
	s1 =	sshll.u32 s1, $0x11  }
0xbc: {  	s0 =	sor.u32 s1, s0  }
0xbd: {  	s0 =	sadd.s32 $0x8F2B, s0  }
0xbe: {  	[sflag:s0] =	ssyncadd.remote.s32 $0x1  }
0xbf: {  	_ =	sfence.sel $0xFFFF  }
0xc0: {  	[dreg:$0x0] =	wrdreg $0xFFFFFFFF;
	(pc) =	sbr.abs _section_cstart, $3  }
0xc1: {  	[dreg:$0x1] =	wrdreg $0xFFFFFFFF  }
0xc2: {  	_ =	task.clear_ibuf [dreg:s7], $0x2FFFF;
	_ =	strace $0x9FFFFFFF  }
0xc3: {  	(tm) =	ssettm $0x7FFFFFFF  }
tec
execute0_lowered:
.L_overlay_start_1:
0x0: {  	(tag) =	ssettag $0x1  }
0x1: {  	s1 =	rddreg [dreg:$0x0]  }
0x2: {  	s0 =	rddreg [dreg:$0x1]  }
0x3: {  	s2 =	rddreg [dreg:$0x2];
	s3 =	srdreg.scid  }
0x4: {  	s4 =	simm.s32 $0x0;
	s11 =	stileid.u32;
	s14 =	simm.s32 $0x5  }
0x5: {  	s15 =	simm.s32 $0x1000;
	s16 =	simm.s32 $0x40;
	s17 =	simm.s32 $0x2000  }
0x6: {  	s18 =	simm.s32 $0x80;
	s19 =	simm.s32 $0x4000;
	s20 =	simm.s32 $0x100  }
0x7: {  	s21 =	simm.s32 $0x6000;
	s28 =	simm.s32 $0x4;
	s3 =	sand.u32 $0x1, s3  }
0x8: {  	[smem:$0x7FF] =	sst s4;
	s7 =	smul.u32 $0x14000, s11;
	s5 =	sadd.s32 $0x3000, s0  }
0x9: {  	s8 =	sadd.s32 $0x2B000, s0;
	s23 =	sshll.u32 s11, $0x1;
	s10 =	smul.u32 $0x50000, s11  }
0xa: {  	s29 =	sshll.u32 s11, $0x6;
	s6 =	smul.u32 $0x140000, s3;
	_ =	strace $0x8000004A  }
0xb: {  	[dreg:$0x4] =	wrdreg s8;
	s22 =	ssub.s32 $0x2, s3;
	s3 =	sor.u32 s3, s23  }
0xc: {  	s23 =	simm.s32 $0x8000;
	s9 =	sshrl.u32 s22, $0x1;
	p0 =	seq.s32 s3, $0x1F  }
0xd: {  	s26 =	sshrl.u32 s10, $0x2;
	s10 =	smul.u32 $0x5000, s3;
	s6 =	sadd.s32 s7, s6  }
0xe: {  	s7 =	simm.s32 $0x28;
	s24 =	ssub.s32 s22, s9;
	s30 =	sadd.s32 s26, s2  }
0xf: {  	s9 =	sor.u32 $0x1C05, s29;
	s22 =	simm.s32 $0x180;
	s26 =	simm.s32 $0x3  }
.Ltmp0:
0x10: {  	s6 =	sshrl.u32 s6, $0x3;
	s7 =	simm.s32 @!p0 $0xA0;
	(pc) =	sbr.rel .LBB2_1-.Ltmp0, $4  }
0x11: {  	s31 =	smax.u32 s24, $0x1;
	s3 =	sshrl.u32 s30, $0x3;
	[dreg:$0x5] =	wrdreg s9  }
0x12: {  	s24 =	simm.s32 $0x1;
	s0 =	sadd.s32 s6, s0;
	[dreg:$0x7] =	wrdreg s31  }
0x13: {  	s25 =	sadd.s32 $0x18, s7;
	[dreg:$0x8] =	wrdreg s3;
	s0 =	sadd.s32 $0x2D800, s0  }
0x14: {  	s8 =	sshrl.u32 s25, $0x5;
	s25 =	simm.s32 $0x2;
	[dreg:$0x6] =	wrdreg s0  }
.LBB2_7:
0x15: {  	[bflag:$0x0] =	sbarrier.arrive $0xFFFF  }
0x16: {  	s9 =	rddreg [dreg:$0x5]  }
0x17: {  	s0 =	rddreg [dreg:$0x6]  }
0x18: {  	s3 =	rddreg [dreg:$0x8]  }
0x19: {  	[hbm:s0], [sflag:s9] =	dma.local [spmem:s3], $0x2800  }
0x1a: {  	_ =	swait.ge [sflag:s14], $0x2800  }
0x1b: {  	s4 =	sadd.s32 $0x1, s4;
	s31 =	rddreg [dreg:$0x7]  }
0x1c: {  	p0 =	sne.s32 s4, s31  }
.Ltmp1:
0x1d: {  	_ = 	snop;
	(pc) =	sbr.rel @!p0 .LBB2_8-.Ltmp1, $3  }
0x1e: {  	_ =	sdelay $0x1  }
0x1f: {  	[sflag:s14] =	ssyncset.done $0x0  }
0x20: {  	[sflag:s14] =	ssyncadd.s32 $0xFFFFD800  }
.LBB2_1:
0x21: {  	s0 =	rddreg [dreg:$0x4]  }
0x22: {  	[spmem:s3], [sflag:s9] =	dma.local [hbm:s0], $0x2800  }
.Ltmp2:
0x23: {  	_ =	swait.ge [sflag:s14], $0x2800;
	(pc) =	sbr.rel .LBB2_2-.Ltmp2, $4  }
0x24: {  	[sflag:s14] =	ssyncset.done $0x0  }
0x25: {  	[sflag:s14] =	ssyncadd.s32 $0xFFFFD800  }
0x26: {  	[bflag:$0x0] =	sbarrier.arrive $0xFFFF  }
0x27: {  	s29 =	simm.s32 $0x0  }
.LBB2_5:
0x28: {  	[tilespmem:s6], [sflag:$0x4] =	stream.indirect.gather @!p1 [hbm4b:s1+s12], $0x80, s11, s12, $0xb8;
	[tilespmem:$0x1E000] =	vst v63  }
.LBB2_6:
0x29: {  	s29 =	sadd.s32 $0x1, s29  }
0x2a: {  	p0 =	sne.s32 s29, s8  }
.Ltmp3:
0x2b: {  	_ = 	snop;
	(pc) =	sbr.rel @!p0 .LBB2_7-.Ltmp3, $1  }
0x2c: {  	_ =	sdelay $0x3  }
.LBB2_2:
0x2d: {  	s0 =	sshll.u32 s29, $0xC  }
0x2e: {  	s0 =	sadd.s32 s10, s0  }
0x2f: {  	s0 =	sshrl.u32 s0, $0x3  }
0x30: {  	s3 =	simm.s32 $0x0;
	s0 =	sadd.s32 s5, s0  }
0x31: {  	[tilespmem:s3], [sflag:$0x5] =	stream.linear.gather [hbm4b:s0+s3], $0x1000, $0x38;
	[tilespmem:$0x1E000] =	vst v63  }
0x32: {  	_ =	swait.ge [sflag:s14], $0x1000  }
0x33: {  	s31 =	sshll.u32 s29, $0x5;
	[sflag:s14] =	ssyncset.done $0x0  }
0x34: {  	s30 =	ssub.s32 s7, s31;
	s0 =	sadd.s32 $0x14000, s0;
	[sflag:s14] =	ssyncadd.s32 $0xFFFFF000  }
0x35: {  	[tilespmem:s15], [sflag:$0x5] =	stream.linear.gather [hbm4b:s0+s3], $0x1000, $0x38;
	[tilespmem:$0x1E000] =	vst v63  }
0x36: {  	p0 =	slt.s32 s30, $0x20;
	_ =	swait.ge [sflag:s14], $0x1000  }
0x37: {  	s30 =	simm.s32 @!p0 $0x20;
	[sflag:s14] =	ssyncset.done $0x0  }
0x38: {  	s0 =	sshra.s32 s30, $0x2;
	[sflag:s14] =	ssyncadd.s32 $0xFFFFF000  }
0x39: {  	[tilespmem:s17], [sflag:$0x1] =	stream.indirect.gather [hbm4b:s1+s16], $0x80, s3, s16, $0xb8;
	[tilespmem:$0x1E000] =	vst v63  }
0x3a: {  	p0 =	slt.s32 s0, $0x1  }
0x3b: {  	[tilespmem:s19], [sflag:$0x2] =	stream.indirect.gather [hbm4b:s1+s16], $0x80, s18, s16, $0xb8;
	[tilespmem:$0x1E000] =	vst v63  }
.Ltmp4:
0x3c: {  	_ = 	snop;
	(pc) =	sbr.rel @p0 .LBB2_6-.Ltmp4, $4  }
0x3d: {  	_ = 	snop  }
0x3e: {  	[tilespmem:s21], [sflag:$0x3] =	stream.indirect.gather [hbm4b:s1+s16], $0x80, s20, s16, $0xb8;
	[tilespmem:$0x1E000] =	vst v63  }
0x3f: {  	_ = 	snop  }
0x40: {  	[tilespmem:s23], [sflag:$0x4] =	stream.indirect.gather [hbm4b:s1+s16], $0x80, s22, s16, $0xb8;
	[tilespmem:$0x1E000] =	vst v63  }
0x41: {  	_ =	swait.ge [sflag:s24], $0x2000  }
0x42: {  	[sflag:s24] =	ssyncset.done $0x0  }
0x43: {  	s3 =	simm.s32 $0x1000;
	[sflag:s24] =	ssyncadd.s32 $0xFFFFE000  }
0x44: {  	[spmem:s2] =	stream.indirect.scatter.add.f32 [tilespmem:s17], [sflag:$0x5], $0x80, s3, s16, $0xb8;
	[tilespmem:$0x1E000] =	vst v63  }
0x45: {  	p0 =	sle.s32 s30, $0x4;
	_ =	swait.ge [sflag:s14], $0x2000  }
0x46: {  	s6 =	simm.s32 @!p0 $0x200;
	[sflag:s14] =	ssyncset.done $0x0  }
0x47: {  	s11 =	simm.s32 @!p0 $0x40;
	s3 =	simm.s32 @!p0 $0x2000;
	[sflag:s14] =	ssyncadd.s32 $0xFFFFE000  }
0x48: {  	[tilespmem:s3], [sflag:$0x1] =	stream.indirect.gather @!p0 [hbm4b:s1+s11], $0x80, s6, s11, $0xb8;
	[tilespmem:$0x1E000] =	vst v63  }
0x49: {  	_ =	swait.ge [sflag:s25], $0x2000  }
0x4a: {  	[sflag:s25] =	ssyncset.done $0x0  }
0x4b: {  	s11 =	simm.s32 $0x1080;
	[sflag:s25] =	ssyncadd.s32 $0xFFFFE000  }
0x4c: {  	[spmem:s2] =	stream.indirect.scatter.add.f32 [tilespmem:s19], [sflag:$0x5], $0x80, s11, s16, $0xb8;
	[tilespmem:$0x1E000] =	vst v63  }
0x4d: {  	p0 =	sle.s32 s30, $0x5;
	_ =	swait.ge [sflag:s14], $0x2000  }
0x4e: {  	s3 =	simm.s32 @!p0 $0x4000;
	[sflag:s14] =	ssyncset.done $0x0  }
0x4f: {  	s6 =	simm.s32 @!p0 $0x280;
	s11 =	simm.s32 @!p0 $0x40;
	[sflag:s14] =	ssyncadd.s32 $0xFFFFE000  }
0x50: {  	[tilespmem:s3], [sflag:$0x2] =	stream.indirect.gather @!p0 [hbm4b:s1+s11], $0x80, s6, s11, $0xb8;
	[tilespmem:$0x1E000] =	vst v63  }
0x51: {  	_ =	swait.ge [sflag:s26], $0x2000  }
0x52: {  	[sflag:s26] =	ssyncset.done $0x0  }
0x53: {  	s12 =	simm.s32 $0x1100;
	[sflag:s26] =	ssyncadd.s32 $0xFFFFE000  }
0x54: {  	[spmem:s2] =	stream.indirect.scatter.add.f32 [tilespmem:s21], [sflag:$0x5], $0x80, s12, s16, $0xb8;
	[tilespmem:$0x1E000] =	vst v63  }
0x55: {  	p0 =	sle.s32 s30, $0x6;
	_ =	swait.ge [sflag:s14], $0x2000  }
0x56: {  	s3 =	simm.s32 @!p0 $0x6000;
	[sflag:s14] =	ssyncset.done $0x0  }
0x57: {  	s6 =	simm.s32 @!p0 $0x300;
	s11 =	simm.s32 @!p0 $0x40;
	[sflag:s14] =	ssyncadd.s32 $0xFFFFE000  }
0x58: {  	[tilespmem:s3], [sflag:$0x3] =	stream.indirect.gather @!p0 [hbm4b:s1+s11], $0x80, s6, s11, $0xb8;
	[tilespmem:$0x1E000] =	vst v63  }
0x59: {  	s31 =	sadd.s32 $0xFFFFFFFF, s0;
	_ =	swait.ge [sflag:s28], $0x2000  }
0x5a: {  	p0 =	sne.s32 s31, $0x0;
	[sflag:s28] =	ssyncset.done $0x0  }
.Ltmp5:
0x5b: {  	s13 =	simm.s32 $0x1180;
	[sflag:s28] =	ssyncadd.s32 $0xFFFFE000;
	(pc) =	sbr.rel @!p0 .LBB2_5-.Ltmp5, $4  }
0x5c: {  	[spmem:s2] =	stream.indirect.scatter.add.f32 [tilespmem:s23], [sflag:$0x5], $0x80, s13, s16, $0xb8;
	[tilespmem:$0x1E000] =	vst v63  }
0x5d: {  	s0 =	simm.s32 $0x8;
	p1 =	sle.s32 s30, $0x7;
	_ =	swait.ge [sflag:s14], $0x2000  }
0x5e: {  	s12 =	simm.s32 @!p1 $0x40;
	s3 =	simm.s32 $0x800;
	[sflag:s14] =	ssyncset.done $0x0  }
0x5f: {  	s6 =	simm.s32 @!p1 $0x8000;
	s11 =	simm.s32 @!p1 $0x380;
	[sflag:s14] =	ssyncadd.s32 $0xFFFFE000  }
.LBB2_4:
0x60: {  	[tilespmem:s6], [sflag:$0x4] =	stream.indirect.gather @!p1 [hbm4b:s1+s12], $0x80, s11, s12, $0xb8;
	[tilespmem:$0x1E000] =	vst v63  }
0x61: {  	s31 =	sadd.s32 $0xFFFFFFFF, s31;
	s6 =	smov.u32 s3;
	_ =	swait.ge [sflag:s24], $0x2000  }
0x62: {  	s11 =	sshra.s32 s3, $0x2;
	p0 =	sne.s32 s31, $0x0;
	[sflag:s24] =	ssyncset.done $0x0  }
0x63: {  	s12 =	sadd.s32 $0x1000, s11;
	[sflag:s24] =	ssyncadd.s32 $0xFFFFE000  }
0x64: {  	[spmem:s2] =	stream.indirect.scatter.add.f32 [tilespmem:s17], [sflag:$0x5], $0x80, s12, s16, $0xb8;
	[tilespmem:$0x1E000] =	vst v63  }
0x65: {  	p1 =	sge.s32 s0, s30;
	_ =	swait.ge [sflag:s14], $0x2000  }
0x66: {  	s9 =	simm.s32 @!p1 $0x2000;
	s12 =	sshra.s32 @!p1 s3, $0x2;
	[sflag:s14] =	ssyncset.done $0x0  }
0x67: {  	s13 =	simm.s32 @!p1 $0x40;
	s12 =	sadd.s32 @!p1 $0x200, s12;
	[sflag:s14] =	ssyncadd.s32 $0xFFFFE000  }
0x68: {  	[tilespmem:s9], [sflag:$0x1] =	stream.indirect.gather @!p1 [hbm4b:s1+s13], $0x80, s12, s13, $0xb8;
	[tilespmem:$0x1E000] =	vst v63  }
0x69: {  	_ =	swait.ge [sflag:s25], $0x2000  }
0x6a: {  	[sflag:s25] =	ssyncset.done $0x0  }
0x6b: {  	s9 =	sadd.s32 $0x1080, s11;
	s12 =	sadd.s32 $0x1, s0;
	[sflag:s25] =	ssyncadd.s32 $0xFFFFE000  }
0x6c: {  	[spmem:s2] =	stream.indirect.scatter.add.f32 [tilespmem:s19], [sflag:$0x5], $0x80, s9, s16, $0xb8;
	[tilespmem:$0x1E000] =	vst v63  }
0x6d: {  	p1 =	sge.s32 s12, s30;
	_ =	swait.ge [sflag:s14], $0x2000  }
0x6e: {  	s12 =	simm.s32 @!p1 $0x4000;
	s9 =	sshra.s32 @!p1 s3, $0x2;
	[sflag:s14] =	ssyncset.done $0x0  }
0x6f: {  	s13 =	simm.s32 @!p1 $0x40;
	s9 =	sadd.s32 @!p1 $0x280, s9;
	[sflag:s14] =	ssyncadd.s32 $0xFFFFE000  }
0x70: {  	[tilespmem:s12], [sflag:$0x2] =	stream.indirect.gather @!p1 [hbm4b:s1+s13], $0x80, s9, s13, $0xb8;
	[tilespmem:$0x1E000] =	vst v63  }
0x71: {  	_ =	swait.ge [sflag:s26], $0x2000  }
0x72: {  	[sflag:s26] =	ssyncset.done $0x0  }
0x73: {  	s9 =	sadd.s32 $0x1100, s11;
	s12 =	sadd.s32 $0x2, s0;
	[sflag:s26] =	ssyncadd.s32 $0xFFFFE000  }
0x74: {  	[spmem:s2] =	stream.indirect.scatter.add.f32 [tilespmem:s21], [sflag:$0x5], $0x80, s9, s16, $0xb8;
	[tilespmem:$0x1E000] =	vst v63  }
0x75: {  	p1 =	sge.s32 s12, s30;
	_ =	swait.ge [sflag:s14], $0x2000  }
0x76: {  	s12 =	simm.s32 @!p1 $0x6000;
	s9 =	sshra.s32 @!p1 s3, $0x2;
	[sflag:s14] =	ssyncset.done $0x0  }
0x77: {  	s13 =	simm.s32 @!p1 $0x40;
	s9 =	sadd.s32 @!p1 $0x300, s9;
	[sflag:s14] =	ssyncadd.s32 $0xFFFFE000  }
0x78: {  	[tilespmem:s12], [sflag:$0x3] =	stream.indirect.gather @!p1 [hbm4b:s1+s13], $0x80, s9, s13, $0xb8;
	[tilespmem:$0x1E000] =	vst v63  }
0x79: {  	_ =	swait.ge [sflag:s28], $0x2000  }
0x7a: {  	s9 =	sadd.s32 $0x3, s0;
	s0 =	sadd.s32 $0x4, s0;
	[sflag:s28] =	ssyncset.done $0x0  }
.Ltmp6:
0x7b: {  	s11 =	sadd.s32 $0x1180, s11;
	[sflag:s28] =	ssyncadd.s32 $0xFFFFE000;
	(pc) =	sbr.rel @p0 .LBB2_4-.Ltmp6, $4  }
0x7c: {  	[spmem:s2] =	stream.indirect.scatter.add.f32 [tilespmem:s23], [sflag:$0x5], $0x80, s11, s16, $0xb8;
	[tilespmem:$0x1E000] =	vst v63  }
0x7d: {  	s3 =	sadd.s32 $0x800, s3;
	p1 =	sge.s32 s9, s30;
	_ =	swait.ge [sflag:s14], $0x2000  }
0x7e: {  	s9 =	sshra.s32 @!p1 s6, $0x2;
	s6 =	simm.s32 @!p1 $0x8000;
	[sflag:s14] =	ssyncset.done $0x0  }
0x7f: {  	s12 =	simm.s32 @!p1 $0x40;
	s11 =	sadd.s32 @!p1 $0x380, s9;
	[sflag:s14] =	ssyncadd.s32 $0xFFFFE000  }
.Ltmp7:
0x80: {  	_ = 	snop;
	(pc) =	sbr.rel .LBB2_5-.Ltmp7, $1  }
0x81: {  	_ =	sdelay $0x3  }
.LBB2_8:
0x82: {  	_ =	sfence.sel $0x180000  }
0x83: {  	[bflag:$0x0] =	sbarrier.arrive $0xFFFF  }
0x84: {  	_ =	strace $0x9000004A  }
0x85: {  	s0 =	stileid.u32;
	[bflag:$0x2] =	sbarrier.arrive $0xFFFF  }
0x86: {  	p0 =	sne.s32 s0, $0x0;
	s0 =	rddreg [dreg:$0x3]  }
0x87: {  	s0 =	sadd.s32 @!p0 $0x100000, s0  }
0x88: {  	[sflag:s0] =	ssyncadd.tile.s32 @!p0 $0x1;
	_ =	shalt  }
.Lfunc_end2:
_tile_overlayer_lowered:
.L_overlay_start_2:
0x89: {  	(tag) =	ssettag $0x2  }
0x8a: {  	s0 =	rddreg [dreg:$0x0];
	s2 =	stileid.u32  }
0x8b: {  	s1 =	rddreg [dreg:$0x1];
	p0 =	sne.s32 s2, $0x0  }
0x8c: {  	s3 =	rddreg [dreg:$0x2];
	[bflag:$0x3] =	sbarrier.arrive $0xFFFF;
	s2 =	simm.s32 @!p0 $0x1C05  }
0x8d: {  	[timem:s3], [sflag:s2] =	dma.local @!p0 [hbm:s0], s1  }
0x8e: {  	s0 =	simm.s32 @!p0 $0x5  }
0x8f: {  	_ =	swait.ge @!p0 [sflag:s0], s1  }
0x90: {  	s1 =	ssub.s32 @!p0 $0x0, s1;
	[sflag:s0] =	ssyncset.done @!p0 $0x0  }
0x91: {  	[sflag:s0] =	ssyncadd.s32 @!p0 s1  }
0x92: {  	[bflag:$0x3] =	sbarrier.arrive $0xFFFF  }
0x93: {  	_ =	shalt  }

</sc_bundles>
